<compile_context>
chip_gen: v7x
topology: tpu7x:2x2x1
jax: 0.10.2.dev20260603
libtpu: 0.0.44.dev20260713+nightly
codegen_flags: <defaults>
</compile_context>

<pallas_src>
import functools

import jax
import jax.numpy as jnp
from jax import lax
from jax.experimental import pallas as pl
from jax.experimental.pallas import tpu as pltpu
from jax.experimental.pallas import tpu_sc as plsc

G = 100
GG = G * G
GP = 10240
B, C, N = 4, 128, 512
BLK = 2048
NBLK = GP // BLK

NC, NS, L = 2, 16, 16
NW = NC * NS
GB = 640
KT = 128
NT = GB // KT
NB = 5


def _argmin_kernel(locs_ref, idx_ref, *, boff):
    b = boff + pl.program_id(0)
    j = pl.program_id(1)
    gids = j * BLK + lax.broadcasted_iota(jnp.int32, (1, BLK), 1)
    gx = (gids // G).astype(jnp.float32)
    gy = (gids % G).astype(jnp.float32)
    lx = locs_ref[0, :, 0:1]
    ly = locs_ref[0, :, 1:2]
    dx = lx - gx
    dy = ly - gy
    d2 = dx * dx + dy * dy
    m = jnp.min(d2, axis=0, keepdims=True)
    row = lax.broadcasted_iota(jnp.int32, (N, BLK), 0)
    am = jnp.min(jnp.where(d2 == m, row, N), axis=0)
    idx_ref[0, 0, :] = am + b * N


def _compute_idx(locs2, boff):
    out = pl.pallas_call(
        functools.partial(_argmin_kernel, boff=boff),
        grid=(2, NBLK),
        in_specs=[pl.BlockSpec((1, N, 2), lambda b, j: (b, 0, 0))],
        out_specs=pl.BlockSpec((1, 1, BLK), lambda b, j: (b * NBLK + j, 0, 0)),
        out_shape=jax.ShapeDtypeStruct((2 * NBLK, 1, BLK), jnp.int32),
    )(locs2)
    return out.reshape(2 * GP)


def _gather_body(dataT_hbm, idx_hbm, out_hbm, idx_v, rows_v, isem, gsem, wsem,
                 *, boff):
    wid = lax.axis_index("s") * NC + lax.axis_index("c")
    bl = wid % 2
    b = boff + bl
    gk = wid // 2
    gs = pl.multiple_of(jnp.where(gk == NW // 2 - 1, GG - GB, gk * GB), 8)

    icps = [
        pltpu.async_copy(
            idx_hbm.at[pl.ds(pl.multiple_of(bl * GP, 8) + gs + j * KT, KT)],
            idx_v.at[j], isem)
        for j in range(NT)
    ]
    for cp in icps:
        cp.wait()

    cg = [None] * NT
    cw = [None] * NT
    for j in range(NT):
        if j >= NB:
            cw[j - NB].wait()
        cg[j] = pltpu.async_copy(dataT_hbm.at[idx_v.at[j]],
                                 rows_v.at[j % NB], gsem)
        if j >= 1:
            cg[j - 1].wait()
            cw[j - 1] = pltpu.async_copy(
                rows_v.at[(j - 1) % NB],
                out_hbm.at[pl.ds(gs + (j - 1) * KT, KT), b, :], wsem)
    cg[NT - 1].wait()
    cw[NT - 1] = pltpu.async_copy(
        rows_v.at[(NT - 1) % NB],
        out_hbm.at[pl.ds(gs + (NT - 1) * KT, KT), b, :], wsem)
    for j in range(NT - NB, NT):
        cw[j].wait()


def _gather_call(dataT, idx, boff, acc=None):
    mesh = plsc.VectorSubcoreMesh(core_axis_name="c", subcore_axis_name="s")
    out_type = () if acc is not None else jax.ShapeDtypeStruct(
        (GG, B, C), jnp.float32)
    f = functools.partial(
        pl.kernel,
        mesh=mesh,
        compiler_params=pltpu.CompilerParams(needs_layout_passes=False),
        out_type=out_type,
        scratch_types=[
            pltpu.VMEM((NT, KT), jnp.int32),
            pltpu.VMEM((NB, KT, C), jnp.float32),
            pltpu.SemaphoreType.DMA,
            pltpu.SemaphoreType.DMA,
            pltpu.SemaphoreType.DMA,
        ],
    )(functools.partial(_gather_body, boff=boff))
    if acc is not None:
        return f(dataT, idx, acc)
    return f(dataT, idx)


def kernel(data, locs, gridpoints):
    del gridpoints
    dataT = jnp.swapaxes(data, 1, 2).reshape(B * N, C)
    idx01 = _compute_idx(locs[0:2], 0)
    out01 = _gather_call(dataT, idx01, 0)
    idx23 = _compute_idx(locs[2:4], 2)
    acc = jax.new_ref(out01)
    _gather_call(dataT, idx23, 2, acc)
    out = acc[...]
    return jnp.transpose(out, (1, 2, 0)).reshape(B, C, G, G)

# --- scband reference (transcript-rebuilt; emitter-appended) ---
"""Pipeline reference for scband-projection-layer-4355096838593 (READ-ONLY COPY).

The authoritative reference and input builder live on the scoring server;
editing this copy changes nothing except your own understanding.
"""

import jax, jax.numpy as jnp
import numpy as np

GRIDSIZE = 100

def setup_inputs(seed: int = 0) -> dict:
    key = jax.random.key(seed)
    k1, k2 = jax.random.split(key)
    B, C, N = 4, 128, 512
    data = jax.random.normal(k1, (B, C, N), dtype=jnp.float32)
    # locs are 2D coordinates in [0, gridsize)
    locs = jax.random.uniform(k2, (B, N, 2), dtype=jnp.float32) * GRIDSIZE
    # constant grid buffer, exactly as in the keras build(): mgrid -> (2, G*G).T
    mgx, mgy = np.mgrid[0:GRIDSIZE, 0:GRIDSIZE]
    gridpoints = jnp.asarray(np.reshape(np.array([mgx, mgy]), (2, -1)).T.astype(np.float32))
    return {"data": data, "locs": locs, "gridpoints": gridpoints}

def reference(data, locs, gridpoints):
    # data: [B, C, N], locs: [B, N, 2], gridpoints: [G*G, 2]
    B, C, N = data.shape
    G = GRIDSIZE
    # expand_dims(locs,1): [B,1,N,2]; expand_dims(gridpoints,1): [G*G,1,2]
    # broadcast difference -> [B, G*G, N, 2]
    diff = locs[:, None, :, :] - gridpoints[:, None, :]
    distance = jnp.sqrt(jnp.sum(diff * diff, axis=-1))  # [B, G*G, N]
    idx = jnp.argmin(distance, axis=-1)                 # [B, G*G], nearest loc per grid cell
    loc_mask = jax.nn.one_hot(idx, N, dtype=data.dtype)  # [B, G*G, N]
    mmul = jnp.matmul(data, jnp.transpose(loc_mask, (0, 2, 1)))  # [B, C, G*G]
    return jnp.reshape(mmul, (B, C, G, G))

if __name__ == "__main__":
    import jax
    _d = setup_inputs()
    print(jax.jit(kernel)(*tuple(_d.values())))

</pallas_src>

<mosaic_0001>
#map = affine_map<(d0, d1) -> (0, 0)>
#map1 = affine_map<(d0, d1) -> (0)>
#map2 = affine_map<(d0, d1) -> (0, 0, 0)>
module attributes {stable_mosaic.version = 14 : i64} {
  func.func @new_body(%arg0: i32, %arg1: i32, %arg2: memref<2048x128xf32, #tpu.memory_space<hbm>>, %arg3: memref<20480xi32, #tpu.memory_space<hbm>>, %arg4: memref<10000x4x128xf32, #tpu.memory_space<hbm>>, %arg5: memref<10000x4x128xf32, #tpu.memory_space<hbm>>, %arg6: memref<5x128xi32, #tpu.memory_space<vmem>>, %arg7: memref<5x128x128xf32, #tpu.memory_space<vmem>>, %arg8: memref<!tpu.dma_semaphore, #tpu.memory_space<semaphore_mem>>, %arg9: memref<!tpu.dma_semaphore, #tpu.memory_space<semaphore_mem>>, %arg10: memref<!tpu.dma_semaphore, #tpu.memory_space<semaphore_mem>>) attributes {dimension_semantics = [#tpu.dimension_semantics<core_parallel>, #tpu.dimension_semantics<subcore_parallel>], iteration_bounds = array<i64: 2, 16>, scalar_prefetch = 0 : i64, scratch_operands = 5 : i64, tpu.core_type = #tpu.core_type<sc_vector_subcore>, window_params = [{transform_indices = #map}, {transform_indices = #map1}, {transform_indices = #map2}, {transform_indices = #map2}]} {
    %mul3A = arith.constant 2 : i32
    %mul3A_0 = arith.muli %arg1, %mul3A : i32
    %add3A = arith.addi %mul3A_0, %arg0 : i32
    %jit3A = arith.constant 2 : i32
    %eq3A = arith.constant 0 : i32
    %eq3A_1 = arith.cmpi eq, %jit3A, %eq3A : i32
    %jit3A_2 = arith.constant 1 : i32
    %select_n3A = arith.select %eq3A_1, %jit3A_2, %jit3A : i32
    %rem3A = arith.remsi %add3A, %select_n3A : i32
    %ne3A = arith.constant 0 : i32
    %ne3A_3 = arith.cmpi ne, %rem3A, %ne3A : i32
    %lt3A = arith.constant 0 : i32
    %lt3A_4 = arith.cmpi slt, %rem3A, %lt3A : i32
    %lt3A_5 = arith.constant 0 : i32
    %lt3A_6 = arith.cmpi slt, %select_n3A, %lt3A_5 : i32
    %ne3A_7 = arith.xori %lt3A_4, %lt3A_6 : i1
    %and3A = arith.andi %ne3A_7, %ne3A_3 : i1
    %add3A_8 = arith.addi %rem3A, %select_n3A : i32
    %select_n3A_9 = arith.select %and3A, %add3A_8, %rem3A : i32
    %add3A_10 = arith.constant 2 : i32
    %add3A_11 = arith.addi %add3A_10, %select_n3A_9 : i32
    %jit3A_12 = arith.constant 2 : i32
    %div3A = arith.divsi %add3A, %jit3A_12 : i32
    %sign3A = arith.constant 0 : i32
    %sign3A_13 = arith.cmpi sgt, %add3A, %sign3A : i32
    %sign3A_14 = arith.extui %sign3A_13 : i1 to i32
    %sign3A_15 = arith.constant 0 : i32
    %sign3A_16 = arith.cmpi slt, %add3A, %sign3A_15 : i32
    %sign3A_17 = arith.extui %sign3A_16 : i1 to i32
    %sign3A_18 = arith.subi %sign3A_14, %sign3A_17 : i32
    %sign3A_19 = arith.constant 0 : i32
    %sign3A_20 = arith.cmpi sgt, %jit3A_12, %sign3A_19 : i32
    %sign3A_21 = arith.extui %sign3A_20 : i1 to i32
    %sign3A_22 = arith.constant 0 : i32
    %sign3A_23 = arith.cmpi slt, %jit3A_12, %sign3A_22 : i32
    %sign3A_24 = arith.extui %sign3A_23 : i1 to i32
    %sign3A_25 = arith.subi %sign3A_21, %sign3A_24 : i32
    %ne3A_26 = arith.cmpi ne, %sign3A_18, %sign3A_25 : i32
    %rem3A_27 = arith.remsi %add3A, %jit3A_12 : i32
    %ne3A_28 = arith.constant 0 : i32
    %ne3A_29 = arith.cmpi ne, %rem3A_27, %ne3A_28 : i32
    %and3A_30 = arith.andi %ne3A_26, %ne3A_29 : i1
    %sub3A = arith.constant 1 : i32
    %sub3A_31 = arith.subi %div3A, %sub3A : i32
    %select_n3A_32 = arith.select %and3A_30, %sub3A_31, %div3A : i32
    %eq3A_33 = arith.constant 15 : i32
    %eq3A_34 = arith.cmpi eq, %select_n3A_32, %eq3A_33 : i32
    %mul3A_35 = arith.constant 640 : i32
    %mul3A_36 = arith.muli %select_n3A_32, %mul3A_35 : i32
    %jit3A_37 = arith.constant 9360 : i32
    %select_n3A_38 = arith.select %eq3A_34, %jit3A_37, %mul3A_36 : i32
    %multiple_of3A = tpu.assume_multiple %select_n3A_38, 8 : i32
    %mul3A_39 = arith.constant 10240 : i32
    %mul3A_40 = arith.muli %select_n3A_9, %mul3A_39 : i32
    %multiple_of3A_41 = tpu.assume_multiple %mul3A_40, 8 : i32
    %add3A_42 = arith.addi %multiple_of3A_41, %multiple_of3A : i32
    %add3A_43 = arith.constant 0 : i32
    %add3A_44 = arith.addi %add3A_42, %add3A_43 : i32
    %dma_start3A = arith.constant 0 : i32
    %dma_start3A_45 = arith.constant 0 : i32
    %dma_start3A_46 = tpu.memref_slice %arg6[%dma_start3A, %dma_start3A_45] : memref<5x128xi32, #tpu.memory_space<vmem>> -> memref<1x128xi32, #tpu.memory_space<vmem>>
    %dma_start3A_47 = tpu.memref_squeeze %dma_start3A_46 : memref<1x128xi32, #tpu.memory_space<vmem>> -> memref<128xi32, #tpu.memory_space<vmem>>
    %dma_start3A_48 = tpu.memref_slice %arg3[%add3A_44] : memref<20480xi32, #tpu.memory_space<hbm>> -> memref<128xi32, #tpu.memory_space<hbm>>
    %dma_start3A_49 = arith.constant 0 : i32
    %dma_start3A_50 = tpu.memref_slice %arg6[%dma_start3A, %dma_start3A_49] : memref<5x128xi32, #tpu.memory_space<vmem>> -> memref<1x128xi32, #tpu.memory_space<vmem>>
    %dma_start3A_51 = tpu.memref_squeeze %dma_start3A_50 : memref<1x128xi32, #tpu.memory_space<vmem>> -> memref<128xi32, #tpu.memory_space<vmem>>
    %dma_start3A_52 = tpu.memref_slice %arg3[%add3A_44] : memref<20480xi32, #tpu.memory_space<hbm>> -> memref<128xi32, #tpu.memory_space<hbm>>
    tpu.enqueue_dma source(%dma_start3A_52 : memref<128xi32, #tpu.memory_space<hbm>>) target(%dma_start3A_51 : memref<128xi32, #tpu.memory_space<vmem>>) target_semaphore(%arg8 : memref<!tpu.dma_semaphore, #tpu.memory_space<semaphore_mem>>)
    %mul3A_53 = arith.constant 10240 : i32
    %mul3A_54 = arith.muli %select_n3A_9, %mul3A_53 : i32
    %multiple_of3A_55 = tpu.assume_multiple %mul3A_54, 8 : i32
    %add3A_56 = arith.addi %multiple_of3A_55, %multiple_of3A : i32
    %add3A_57 = arith.constant 128 : i32
    %add3A_58 = arith.addi %add3A_56, %add3A_57 : i32
    %dma_start3A_59 = arith.constant 1 : i32
    %dma_start3A_60 = arith.constant 0 : i32
    %dma_start3A_61 = tpu.memref_slice %arg6[%dma_start3A_59, %dma_start3A_60] : memref<5x128xi32, #tpu.memory_space<vmem>> -> memref<1x128xi32, #tpu.memory_space<vmem>>
    %dma_start3A_62 = tpu.memref_squeeze %dma_start3A_61 : memref<1x128xi32, #tpu.memory_space<vmem>> -> memref<128xi32, #tpu.memory_space<vmem>>
    %dma_start3A_63 = tpu.memref_slice %arg3[%add3A_58] : memref<20480xi32, #tpu.memory_space<hbm>> -> memref<128xi32, #tpu.memory_space<hbm>>
    %dma_start3A_64 = arith.constant 0 : i32
    %dma_start3A_65 = tpu.memref_slice %arg6[%dma_start3A_59, %dma_start3A_64] : memref<5x128xi32, #tpu.memory_space<vmem>> -> memref<1x128xi32, #tpu.memory_space<vmem>>
    %dma_start3A_66 = tpu.memref_squeeze %dma_start3A_65 : memref<1x128xi32, #tpu.memory_space<vmem>> -> memref<128xi32, #tpu.memory_space<vmem>>
    %dma_start3A_67 = tpu.memref_slice %arg3[%add3A_58] : memref<20480xi32, #tpu.memory_space<hbm>> -> memref<128xi32, #tpu.memory_space<hbm>>
    tpu.enqueue_dma source(%dma_start3A_67 : memref<128xi32, #tpu.memory_space<hbm>>) target(%dma_start3A_66 : memref<128xi32, #tpu.memory_space<vmem>>) target_semaphore(%arg8 : memref<!tpu.dma_semaphore, #tpu.memory_space<semaphore_mem>>)
    %mul3A_68 = arith.constant 10240 : i32
    %mul3A_69 = arith.muli %select_n3A_9, %mul3A_68 : i32
    %multiple_of3A_70 = tpu.assume_multiple %mul3A_69, 8 : i32
    %add3A_71 = arith.addi %multiple_of3A_70, %multiple_of3A : i32
    %add3A_72 = arith.constant 256 : i32
    %add3A_73 = arith.addi %add3A_71, %add3A_72 : i32
    %dma_start3A_74 = arith.constant 2 : i32
    %dma_start3A_75 = arith.constant 0 : i32
    %dma_start3A_76 = tpu.memref_slice %arg6[%dma_start3A_74, %dma_start3A_75] : memref<5x128xi32, #tpu.memory_space<vmem>> -> memref<1x128xi32, #tpu.memory_space<vmem>>
    %dma_start3A_77 = tpu.memref_squeeze %dma_start3A_76 : memref<1x128xi32, #tpu.memory_space<vmem>> -> memref<128xi32, #tpu.memory_space<vmem>>
    %dma_start3A_78 = tpu.memref_slice %arg3[%add3A_73] : memref<20480xi32, #tpu.memory_space<hbm>> -> memref<128xi32, #tpu.memory_space<hbm>>
    %dma_start3A_79 = arith.constant 0 : i32
    %dma_start3A_80 = tpu.memref_slice %arg6[%dma_start3A_74, %dma_start3A_79] : memref<5x128xi32, #tpu.memory_space<vmem>> -> memref<1x128xi32, #tpu.memory_space<vmem>>
    %dma_start3A_81 = tpu.memref_squeeze %dma_start3A_80 : memref<1x128xi32, #tpu.memory_space<vmem>> -> memref<128xi32, #tpu.memory_space<vmem>>
    %dma_start3A_82 = tpu.memref_slice %arg3[%add3A_73] : memref<20480xi32, #tpu.memory_space<hbm>> -> memref<128xi32, #tpu.memory_space<hbm>>
    tpu.enqueue_dma source(%dma_start3A_82 : memref<128xi32, #tpu.memory_space<hbm>>) target(%dma_start3A_81 : memref<128xi32, #tpu.memory_space<vmem>>) target_semaphore(%arg8 : memref<!tpu.dma_semaphore, #tpu.memory_space<semaphore_mem>>)
    %mul3A_83 = arith.constant 10240 : i32
    %mul3A_84 = arith.muli %select_n3A_9, %mul3A_83 : i32
    %multiple_of3A_85 = tpu.assume_multiple %mul3A_84, 8 : i32
    %add3A_86 = arith.addi %multiple_of3A_85, %multiple_of3A : i32
    %add3A_87 = arith.constant 384 : i32
    %add3A_88 = arith.addi %add3A_86, %add3A_87 : i32
    %dma_start3A_89 = arith.constant 3 : i32
    %dma_start3A_90 = arith.constant 0 : i32
    %dma_start3A_91 = tpu.memref_slice %arg6[%dma_start3A_89, %dma_start3A_90] : memref<5x128xi32, #tpu.memory_space<vmem>> -> memref<1x128xi32, #tpu.memory_space<vmem>>
    %dma_start3A_92 = tpu.memref_squeeze %dma_start3A_91 : memref<1x128xi32, #tpu.memory_space<vmem>> -> memref<128xi32, #tpu.memory_space<vmem>>
    %dma_start3A_93 = tpu.memref_slice %arg3[%add3A_88] : memref<20480xi32, #tpu.memory_space<hbm>> -> memref<128xi32, #tpu.memory_space<hbm>>
    %dma_start3A_94 = arith.constant 0 : i32
    %dma_start3A_95 = tpu.memref_slice %arg6[%dma_start3A_89, %dma_start3A_94] : memref<5x128xi32, #tpu.memory_space<vmem>> -> memref<1x128xi32, #tpu.memory_space<vmem>>
    %dma_start3A_96 = tpu.memref_squeeze %dma_start3A_95 : memref<1x128xi32, #tpu.memory_space<vmem>> -> memref<128xi32, #tpu.memory_space<vmem>>
    %dma_start3A_97 = tpu.memref_slice %arg3[%add3A_88] : memref<20480xi32, #tpu.memory_space<hbm>> -> memref<128xi32, #tpu.memory_space<hbm>>
    tpu.enqueue_dma source(%dma_start3A_97 : memref<128xi32, #tpu.memory_space<hbm>>) target(%dma_start3A_96 : memref<128xi32, #tpu.memory_space<vmem>>) target_semaphore(%arg8 : memref<!tpu.dma_semaphore, #tpu.memory_space<semaphore_mem>>)
    %mul3A_98 = arith.constant 10240 : i32
    %mul3A_99 = arith.muli %select_n3A_9, %mul3A_98 : i32
    %multiple_of3A_100 = tpu.assume_multiple %mul3A_99, 8 : i32
    %add3A_101 = arith.addi %multiple_of3A_100, %multiple_of3A : i32
    %add3A_102 = arith.constant 512 : i32
    %add3A_103 = arith.addi %add3A_101, %add3A_102 : i32
    %dma_start3A_104 = arith.constant 4 : i32
    %dma_start3A_105 = arith.constant 0 : i32
    %dma_start3A_106 = tpu.memref_slice %arg6[%dma_start3A_104, %dma_start3A_105] : memref<5x128xi32, #tpu.memory_space<vmem>> -> memref<1x128xi32, #tpu.memory_space<vmem>>
    %dma_start3A_107 = tpu.memref_squeeze %dma_start3A_106 : memref<1x128xi32, #tpu.memory_space<vmem>> -> memref<128xi32, #tpu.memory_space<vmem>>
    %dma_start3A_108 = tpu.memref_slice %arg3[%add3A_103] : memref<20480xi32, #tpu.memory_space<hbm>> -> memref<128xi32, #tpu.memory_space<hbm>>
    %dma_start3A_109 = arith.constant 0 : i32
    %dma_start3A_110 = tpu.memref_slice %arg6[%dma_start3A_104, %dma_start3A_109] : memref<5x128xi32, #tpu.memory_space<vmem>> -> memref<1x128xi32, #tpu.memory_space<vmem>>
    %dma_start3A_111 = tpu.memref_squeeze %dma_start3A_110 : memref<1x128xi32, #tpu.memory_space<vmem>> -> memref<128xi32, #tpu.memory_space<vmem>>
    %dma_start3A_112 = tpu.memref_slice %arg3[%add3A_103] : memref<20480xi32, #tpu.memory_space<hbm>> -> memref<128xi32, #tpu.memory_space<hbm>>
    tpu.enqueue_dma source(%dma_start3A_112 : memref<128xi32, #tpu.memory_space<hbm>>) target(%dma_start3A_111 : memref<128xi32, #tpu.memory_space<vmem>>) target_semaphore(%arg8 : memref<!tpu.dma_semaphore, #tpu.memory_space<semaphore_mem>>)
    %dma_wait3A = arith.constant 0 : i32
    %dma_wait3A_113 = arith.constant 0 : i32
    %dma_wait3A_114 = tpu.memref_slice %arg6[%dma_wait3A, %dma_wait3A_113] : memref<5x128xi32, #tpu.memory_space<vmem>> -> memref<1x128xi32, #tpu.memory_space<vmem>>
    %dma_wait3A_115 = tpu.memref_squeeze %dma_wait3A_114 : memref<1x128xi32, #tpu.memory_space<vmem>> -> memref<128xi32, #tpu.memory_space<vmem>>
    %dma_wait3A_116 = tpu.memref_slice %arg3[%add3A_44] : memref<20480xi32, #tpu.memory_space<hbm>> -> memref<128xi32, #tpu.memory_space<hbm>>
    %dma_wait3A_117 = arith.constant 0 : i32
    %dma_wait3A_118 = tpu.memref_slice %arg6[%dma_wait3A, %dma_wait3A_117] : memref<5x128xi32, #tpu.memory_space<vmem>> -> memref<1x128xi32, #tpu.memory_space<vmem>>
    %dma_wait3A_119 = tpu.memref_squeeze %dma_wait3A_118 : memref<1x128xi32, #tpu.memory_space<vmem>> -> memref<128xi32, #tpu.memory_space<vmem>>
    %dma_wait3A_120 = tpu.memref_slice %arg3[%add3A_44] : memref<20480xi32, #tpu.memory_space<hbm>> -> memref<128xi32, #tpu.memory_space<hbm>>
    tpu.wait_dma2 semaphore(%arg8 : memref<!tpu.dma_semaphore, #tpu.memory_space<semaphore_mem>>) src(%dma_wait3A_120 : memref<128xi32, #tpu.memory_space<hbm>>) dst(%dma_wait3A_119 : memref<128xi32, #tpu.memory_space<vmem>>)
    %dma_wait3A_121 = arith.constant 1 : i32
    %dma_wait3A_122 = arith.constant 0 : i32
    %dma_wait3A_123 = tpu.memref_slice %arg6[%dma_wait3A_121, %dma_wait3A_122] : memref<5x128xi32, #tpu.memory_space<vmem>> -> memref<1x128xi32, #tpu.memory_space<vmem>>
    %dma_wait3A_124 = tpu.memref_squeeze %dma_wait3A_123 : memref<1x128xi32, #tpu.memory_space<vmem>> -> memref<128xi32, #tpu.memory_space<vmem>>
    %dma_wait3A_125 = tpu.memref_slice %arg3[%add3A_58] : memref<20480xi32, #tpu.memory_space<hbm>> -> memref<128xi32, #tpu.memory_space<hbm>>
    %dma_wait3A_126 = arith.constant 0 : i32
    %dma_wait3A_127 = tpu.memref_slice %arg6[%dma_wait3A_121, %dma_wait3A_126] : memref<5x128xi32, #tpu.memory_space<vmem>> -> memref<1x128xi32, #tpu.memory_space<vmem>>
    %dma_wait3A_128 = tpu.memref_squeeze %dma_wait3A_127 : memref<1x128xi32, #tpu.memory_space<vmem>> -> memref<128xi32, #tpu.memory_space<vmem>>
    %dma_wait3A_129 = tpu.memref_slice %arg3[%add3A_58] : memref<20480xi32, #tpu.memory_space<hbm>> -> memref<128xi32, #tpu.memory_space<hbm>>
    tpu.wait_dma2 semaphore(%arg8 : memref<!tpu.dma_semaphore, #tpu.memory_space<semaphore_mem>>) src(%dma_wait3A_129 : memref<128xi32, #tpu.memory_space<hbm>>) dst(%dma_wait3A_128 : memref<128xi32, #tpu.memory_space<vmem>>)
    %dma_wait3A_130 = arith.constant 2 : i32
    %dma_wait3A_131 = arith.constant 0 : i32
    %dma_wait3A_132 = tpu.memref_slice %arg6[%dma_wait3A_130, %dma_wait3A_131] : memref<5x128xi32, #tpu.memory_space<vmem>> -> memref<1x128xi32, #tpu.memory_space<vmem>>
    %dma_wait3A_133 = tpu.memref_squeeze %dma_wait3A_132 : memref<1x128xi32, #tpu.memory_space<vmem>> -> memref<128xi32, #tpu.memory_space<vmem>>
    %dma_wait3A_134 = tpu.memref_slice %arg3[%add3A_73] : memref<20480xi32, #tpu.memory_space<hbm>> -> memref<128xi32, #tpu.memory_space<hbm>>
    %dma_wait3A_135 = arith.constant 0 : i32
    %dma_wait3A_136 = tpu.memref_slice %arg6[%dma_wait3A_130, %dma_wait3A_135] : memref<5x128xi32, #tpu.memory_space<vmem>> -> memref<1x128xi32, #tpu.memory_space<vmem>>
    %dma_wait3A_137 = tpu.memref_squeeze %dma_wait3A_136 : memref<1x128xi32, #tpu.memory_space<vmem>> -> memref<128xi32, #tpu.memory_space<vmem>>
    %dma_wait3A_138 = tpu.memref_slice %arg3[%add3A_73] : memref<20480xi32, #tpu.memory_space<hbm>> -> memref<128xi32, #tpu.memory_space<hbm>>
    tpu.wait_dma2 semaphore(%arg8 : memref<!tpu.dma_semaphore, #tpu.memory_space<semaphore_mem>>) src(%dma_wait3A_138 : memref<128xi32, #tpu.memory_space<hbm>>) dst(%dma_wait3A_137 : memref<128xi32, #tpu.memory_space<vmem>>)
    %dma_wait3A_139 = arith.constant 3 : i32
    %dma_wait3A_140 = arith.constant 0 : i32
    %dma_wait3A_141 = tpu.memref_slice %arg6[%dma_wait3A_139, %dma_wait3A_140] : memref<5x128xi32, #tpu.memory_space<vmem>> -> memref<1x128xi32, #tpu.memory_space<vmem>>
    %dma_wait3A_142 = tpu.memref_squeeze %dma_wait3A_141 : memref<1x128xi32, #tpu.memory_space<vmem>> -> memref<128xi32, #tpu.memory_space<vmem>>
    %dma_wait3A_143 = tpu.memref_slice %arg3[%add3A_88] : memref<20480xi32, #tpu.memory_space<hbm>> -> memref<128xi32, #tpu.memory_space<hbm>>
    %dma_wait3A_144 = arith.constant 0 : i32
    %dma_wait3A_145 = tpu.memref_slice %arg6[%dma_wait3A_139, %dma_wait3A_144] : memref<5x128xi32, #tpu.memory_space<vmem>> -> memref<1x128xi32, #tpu.memory_space<vmem>>
    %dma_wait3A_146 = tpu.memref_squeeze %dma_wait3A_145 : memref<1x128xi32, #tpu.memory_space<vmem>> -> memref<128xi32, #tpu.memory_space<vmem>>
    %dma_wait3A_147 = tpu.memref_slice %arg3[%add3A_88] : memref<20480xi32, #tpu.memory_space<hbm>> -> memref<128xi32, #tpu.memory_space<hbm>>
    tpu.wait_dma2 semaphore(%arg8 : memref<!tpu.dma_semaphore, #tpu.memory_space<semaphore_mem>>) src(%dma_wait3A_147 : memref<128xi32, #tpu.memory_space<hbm>>) dst(%dma_wait3A_146 : memref<128xi32, #tpu.memory_space<vmem>>)
    %dma_wait3A_148 = arith.constant 4 : i32
    %dma_wait3A_149 = arith.constant 0 : i32
    %dma_wait3A_150 = tpu.memref_slice %arg6[%dma_wait3A_148, %dma_wait3A_149] : memref<5x128xi32, #tpu.memory_space<vmem>> -> memref<1x128xi32, #tpu.memory_space<vmem>>
    %dma_wait3A_151 = tpu.memref_squeeze %dma_wait3A_150 : memref<1x128xi32, #tpu.memory_space<vmem>> -> memref<128xi32, #tpu.memory_space<vmem>>
    %dma_wait3A_152 = tpu.memref_slice %arg3[%add3A_103] : memref<20480xi32, #tpu.memory_space<hbm>> -> memref<128xi32, #tpu.memory_space<hbm>>
    %dma_wait3A_153 = arith.constant 0 : i32
    %dma_wait3A_154 = tpu.memref_slice %arg6[%dma_wait3A_148, %dma_wait3A_153] : memref<5x128xi32, #tpu.memory_space<vmem>> -> memref<1x128xi32, #tpu.memory_space<vmem>>
    %dma_wait3A_155 = tpu.memref_squeeze %dma_wait3A_154 : memref<1x128xi32, #tpu.memory_space<vmem>> -> memref<128xi32, #tpu.memory_space<vmem>>
    %dma_wait3A_156 = tpu.memref_slice %arg3[%add3A_103] : memref<20480xi32, #tpu.memory_space<hbm>> -> memref<128xi32, #tpu.memory_space<hbm>>
    tpu.wait_dma2 semaphore(%arg8 : memref<!tpu.dma_semaphore, #tpu.memory_space<semaphore_mem>>) src(%dma_wait3A_156 : memref<128xi32, #tpu.memory_space<hbm>>) dst(%dma_wait3A_155 : memref<128xi32, #tpu.memory_space<vmem>>)
    %dma_start3A_157 = arith.constant 0 : i32
    %dma_start3A_158 = arith.constant 0 : i32
    %dma_start3A_159 = arith.constant 0 : i32
    %dma_start3A_160 = arith.constant 0 : i32
    %dma_start3A_161 = tpu.memref_slice %arg7[%dma_start3A_158, %dma_start3A_159, %dma_start3A_160] : memref<5x128x128xf32, #tpu.memory_space<vmem>> -> memref<1x128x128xf32, #tpu.memory_space<vmem>>
    %dma_start3A_162 = tpu.memref_squeeze %dma_start3A_161 : memref<1x128x128xf32, #tpu.memory_space<vmem>> -> memref<128x128xf32, #tpu.memory_space<vmem>>
    %dma_start3A_163 = arith.constant 0 : i32
    %dma_start3A_164 = tpu.memref_slice %arg6[%dma_start3A_157, %dma_start3A_163] : memref<5x128xi32, #tpu.memory_space<vmem>> -> memref<1x128xi32, #tpu.memory_space<vmem>>
    %dma_start3A_165 = tpu.memref_squeeze %dma_start3A_164 : memref<1x128xi32, #tpu.memory_space<vmem>> -> memref<128xi32, #tpu.memory_space<vmem>>
    %dma_start3A_166 = arith.constant 0 : i32
    %dma_start3A_167 = arith.constant 0 : i32
    %dma_start3A_168 = tpu.memref_slice %arg2[%dma_start3A_166, %dma_start3A_167] : memref<2048x128xf32, #tpu.memory_space<hbm>> -> memref<2048x128xf32, #tpu.memory_space<hbm>>
    tpu.enqueue_indirect_dma source(%dma_start3A_168 : memref<2048x128xf32, #tpu.memory_space<hbm>>) target(%dma_start3A_162 : memref<128x128xf32, #tpu.memory_space<vmem>>) offsets(%dma_start3A_165 : memref<128xi32, #tpu.memory_space<vmem>>) semaphore(%arg9 : memref<!tpu.dma_semaphore, #tpu.memory_space<semaphore_mem>>)
    %dma_start3A_169 = arith.constant 1 : i32
    %dma_start3A_170 = arith.constant 1 : i32
    %dma_start3A_171 = arith.constant 0 : i32
    %dma_start3A_172 = arith.constant 0 : i32
    %dma_start3A_173 = tpu.memref_slice %arg7[%dma_start3A_170, %dma_start3A_171, %dma_start3A_172] : memref<5x128x128xf32, #tpu.memory_space<vmem>> -> memref<1x128x128xf32, #tpu.memory_space<vmem>>
    %dma_start3A_174 = tpu.memref_squeeze %dma_start3A_173 : memref<1x128x128xf32, #tpu.memory_space<vmem>> -> memref<128x128xf32, #tpu.memory_space<vmem>>
    %dma_start3A_175 = arith.constant 0 : i32
    %dma_start3A_176 = tpu.memref_slice %arg6[%dma_start3A_169, %dma_start3A_175] : memref<5x128xi32, #tpu.memory_space<vmem>> -> memref<1x128xi32, #tpu.memory_space<vmem>>
    %dma_start3A_177 = tpu.memref_squeeze %dma_start3A_176 : memref<1x128xi32, #tpu.memory_space<vmem>> -> memref<128xi32, #tpu.memory_space<vmem>>
    %dma_start3A_178 = arith.constant 0 : i32
    %dma_start3A_179 = arith.constant 0 : i32
    %dma_start3A_180 = tpu.memref_slice %arg2[%dma_start3A_178, %dma_start3A_179] : memref<2048x128xf32, #tpu.memory_space<hbm>> -> memref<2048x128xf32, #tpu.memory_space<hbm>>
    tpu.enqueue_indirect_dma source(%dma_start3A_180 : memref<2048x128xf32, #tpu.memory_space<hbm>>) target(%dma_start3A_174 : memref<128x128xf32, #tpu.memory_space<vmem>>) offsets(%dma_start3A_177 : memref<128xi32, #tpu.memory_space<vmem>>) semaphore(%arg9 : memref<!tpu.dma_semaphore, #tpu.memory_space<semaphore_mem>>)
    %dma_wait3A_181 = arith.constant 0 : i32
    %dma_wait3A_182 = arith.constant 0 : i32
    %dma_wait3A_183 = arith.constant 0 : i32
    %dma_wait3A_184 = arith.constant 0 : i32
    %dma_wait3A_185 = tpu.memref_slice %arg7[%dma_wait3A_182, %dma_wait3A_183, %dma_wait3A_184] : memref<5x128x128xf32, #tpu.memory_space<vmem>> -> memref<1x128x128xf32, #tpu.memory_space<vmem>>
    %dma_wait3A_186 = tpu.memref_squeeze %dma_wait3A_185 : memref<1x128x128xf32, #tpu.memory_space<vmem>> -> memref<128x128xf32, #tpu.memory_space<vmem>>
    %dma_wait3A_187 = arith.constant 0 : i32
    %dma_wait3A_188 = tpu.memref_slice %arg6[%dma_wait3A_181, %dma_wait3A_187] : memref<5x128xi32, #tpu.memory_space<vmem>> -> memref<1x128xi32, #tpu.memory_space<vmem>>
    %dma_wait3A_189 = tpu.memref_squeeze %dma_wait3A_188 : memref<1x128xi32, #tpu.memory_space<vmem>> -> memref<128xi32, #tpu.memory_space<vmem>>
    %dma_wait3A_190 = arith.constant 0 : i32
    %dma_wait3A_191 = arith.constant 0 : i32
    %dma_wait3A_192 = tpu.memref_slice %arg2[%dma_wait3A_190, %dma_wait3A_191] : memref<2048x128xf32, #tpu.memory_space<hbm>> -> memref<2048x128xf32, #tpu.memory_space<hbm>>
    tpu.wait_indirect_dma semaphore(%arg9 : memref<!tpu.dma_semaphore, #tpu.memory_space<semaphore_mem>>) src(%dma_wait3A_192 : memref<2048x128xf32, #tpu.memory_space<hbm>>) dst(%dma_wait3A_186 : memref<128x128xf32, #tpu.memory_space<vmem>>)
    %add3A_193 = arith.constant 0 : i32
    %add3A_194 = arith.addi %multiple_of3A, %add3A_193 : i32
    %dma_start3A_195 = arith.constant 0 : i32
    %dma_start3A_196 = arith.constant 0 : i32
    %dma_start3A_197 = arith.constant 0 : i32
    %dma_start3A_198 = tpu.memref_slice %arg7[%dma_start3A_195, %dma_start3A_196, %dma_start3A_197] : memref<5x128x128xf32, #tpu.memory_space<vmem>> -> memref<1x128x128xf32, #tpu.memory_space<vmem>>
    %dma_start3A_199 = tpu.memref_squeeze %dma_start3A_198 : memref<1x128x128xf32, #tpu.memory_space<vmem>> -> memref<128x128xf32, #tpu.memory_space<vmem>>
    %dma_start3A_200 = arith.constant 0 : i32
    %dma_start3A_201 = tpu.memref_slice %arg4[%add3A_194, %add3A_11, %dma_start3A_200] : memref<10000x4x128xf32, #tpu.memory_space<hbm>> -> memref<128x1x128xf32, #tpu.memory_space<hbm>>
    %dma_start3A_202 = tpu.memref_squeeze %dma_start3A_201 : memref<128x1x128xf32, #tpu.memory_space<hbm>> -> memref<128x128xf32, #tpu.memory_space<hbm>>
    %dma_start3A_203 = arith.constant 0 : i32
    %dma_start3A_204 = tpu.memref_slice %arg4[%add3A_194, %add3A_11, %dma_start3A_203] : memref<10000x4x128xf32, #tpu.memory_space<hbm>> -> memref<128x1x128xf32, #tpu.memory_space<hbm>>
    %dma_start3A_205 = tpu.memref_squeeze %dma_start3A_204 : memref<128x1x128xf32, #tpu.memory_space<hbm>> -> memref<128x128xf32, #tpu.memory_space<hbm>>
    %dma_start3A_206 = arith.constant 0 : i32
    %dma_start3A_207 = arith.constant 0 : i32
    %dma_start3A_208 = tpu.memref_slice %arg7[%dma_start3A_195, %dma_start3A_206, %dma_start3A_207] : memref<5x128x128xf32, #tpu.memory_space<vmem>> -> memref<1x128x128xf32, #tpu.memory_space<vmem>>
    %dma_start3A_209 = tpu.memref_squeeze %dma_start3A_208 : memref<1x128x128xf32, #tpu.memory_space<vmem>> -> memref<128x128xf32, #tpu.memory_space<vmem>>
    tpu.enqueue_dma source(%dma_start3A_209 : memref<128x128xf32, #tpu.memory_space<vmem>>) target(%dma_start3A_205 : memref<128x128xf32, #tpu.memory_space<hbm>>) target_semaphore(%arg10 : memref<!tpu.dma_semaphore, #tpu.memory_space<semaphore_mem>>)
    %dma_start3A_210 = arith.constant 2 : i32
    %dma_start3A_211 = arith.constant 2 : i32
    %dma_start3A_212 = arith.constant 0 : i32
    %dma_start3A_213 = arith.constant 0 : i32
    %dma_start3A_214 = tpu.memref_slice %arg7[%dma_start3A_211, %dma_start3A_212, %dma_start3A_213] : memref<5x128x128xf32, #tpu.memory_space<vmem>> -> memref<1x128x128xf32, #tpu.memory_space<vmem>>
    %dma_start3A_215 = tpu.memref_squeeze %dma_start3A_214 : memref<1x128x128xf32, #tpu.memory_space<vmem>> -> memref<128x128xf32, #tpu.memory_space<vmem>>
    %dma_start3A_216 = arith.constant 0 : i32
    %dma_start3A_217 = tpu.memref_slice %arg6[%dma_start3A_210, %dma_start3A_216] : memref<5x128xi32, #tpu.memory_space<vmem>> -> memref<1x128xi32, #tpu.memory_space<vmem>>
    %dma_start3A_218 = tpu.memref_squeeze %dma_start3A_217 : memref<1x128xi32, #tpu.memory_space<vmem>> -> memref<128xi32, #tpu.memory_space<vmem>>
    %dma_start3A_219 = arith.constant 0 : i32
    %dma_start3A_220 = arith.constant 0 : i32
    %dma_start3A_221 = tpu.memref_slice %arg2[%dma_start3A_219, %dma_start3A_220] : memref<2048x128xf32, #tpu.memory_space<hbm>> -> memref<2048x128xf32, #tpu.memory_space<hbm>>
    tpu.enqueue_indirect_dma source(%dma_start3A_221 : memref<2048x128xf32, #tpu.memory_space<hbm>>) target(%dma_start3A_215 : memref<128x128xf32, #tpu.memory_space<vmem>>) offsets(%dma_start3A_218 : memref<128xi32, #tpu.memory_space<vmem>>) semaphore(%arg9 : memref<!tpu.dma_semaphore, #tpu.memory_space<semaphore_mem>>)
    %dma_wait3A_222 = arith.constant 1 : i32
    %dma_wait3A_223 = arith.constant 1 : i32
    %dma_wait3A_224 = arith.constant 0 : i32
    %dma_wait3A_225 = arith.constant 0 : i32
    %dma_wait3A_226 = tpu.memref_slice %arg7[%dma_wait3A_223, %dma_wait3A_224, %dma_wait3A_225] : memref<5x128x128xf32, #tpu.memory_space<vmem>> -> memref<1x128x128xf32, #tpu.memory_space<vmem>>
    %dma_wait3A_227 = tpu.memref_squeeze %dma_wait3A_226 : memref<1x128x128xf32, #tpu.memory_space<vmem>> -> memref<128x128xf32, #tpu.memory_space<vmem>>
    %dma_wait3A_228 = arith.constant 0 : i32
    %dma_wait3A_229 = tpu.memref_slice %arg6[%dma_wait3A_222, %dma_wait3A_228] : memref<5x128xi32, #tpu.memory_space<vmem>> -> memref<1x128xi32, #tpu.memory_space<vmem>>
    %dma_wait3A_230 = tpu.memref_squeeze %dma_wait3A_229 : memref<1x128xi32, #tpu.memory_space<vmem>> -> memref<128xi32, #tpu.memory_space<vmem>>
    %dma_wait3A_231 = arith.constant 0 : i32
    %dma_wait3A_232 = arith.constant 0 : i32
    %dma_wait3A_233 = tpu.memref_slice %arg2[%dma_wait3A_231, %dma_wait3A_232] : memref<2048x128xf32, #tpu.memory_space<hbm>> -> memref<2048x128xf32, #tpu.memory_space<hbm>>
    tpu.wait_indirect_dma semaphore(%arg9 : memref<!tpu.dma_semaphore, #tpu.memory_space<semaphore_mem>>) src(%dma_wait3A_233 : memref<2048x128xf32, #tpu.memory_space<hbm>>) dst(%dma_wait3A_227 : memref<128x128xf32, #tpu.memory_space<vmem>>)
    %add3A_234 = arith.constant 128 : i32
    %add3A_235 = arith.addi %multiple_of3A, %add3A_234 : i32
    %dma_start3A_236 = arith.constant 1 : i32
    %dma_start3A_237 = arith.constant 0 : i32
    %dma_start3A_238 = arith.constant 0 : i32
    %dma_start3A_239 = tpu.memref_slice %arg7[%dma_start3A_236, %dma_start3A_237, %dma_start3A_238] : memref<5x128x128xf32, #tpu.memory_space<vmem>> -> memref<1x128x128xf32, #tpu.memory_space<vmem>>
    %dma_start3A_240 = tpu.memref_squeeze %dma_start3A_239 : memref<1x128x128xf32, #tpu.memory_space<vmem>> -> memref<128x128xf32, #tpu.memory_space<vmem>>
    %dma_start3A_241 = arith.constant 0 : i32
    %dma_start3A_242 = tpu.memref_slice %arg4[%add3A_235, %add3A_11, %dma_start3A_241] : memref<10000x4x128xf32, #tpu.memory_space<hbm>> -> memref<128x1x128xf32, #tpu.memory_space<hbm>>
    %dma_start3A_243 = tpu.memref_squeeze %dma_start3A_242 : memref<128x1x128xf32, #tpu.memory_space<hbm>> -> memref<128x128xf32, #tpu.memory_space<hbm>>
    %dma_start3A_244 = arith.constant 0 : i32
    %dma_start3A_245 = tpu.memref_slice %arg4[%add3A_235, %add3A_11, %dma_start3A_244] : memref<10000x4x128xf32, #tpu.memory_space<hbm>> -> memref<128x1x128xf32, #tpu.memory_space<hbm>>
    %dma_start3A_246 = tpu.memref_squeeze %dma_start3A_245 : memref<128x1x128xf32, #tpu.memory_space<hbm>> -> memref<128x128xf32, #tpu.memory_space<hbm>>
    %dma_start3A_247 = arith.constant 0 : i32
    %dma_start3A_248 = arith.constant 0 : i32
    %dma_start3A_249 = tpu.memref_slice %arg7[%dma_start3A_236, %dma_start3A_247, %dma_start3A_248] : memref<5x128x128xf32, #tpu.memory_space<vmem>> -> memref<1x128x128xf32, #tpu.memory_space<vmem>>
    %dma_start3A_250 = tpu.memref_squeeze %dma_start3A_249 : memref<1x128x128xf32, #tpu.memory_space<vmem>> -> memref<128x128xf32, #tpu.memory_space<vmem>>
    tpu.enqueue_dma source(%dma_start3A_250 : memref<128x128xf32, #tpu.memory_space<vmem>>) target(%dma_start3A_246 : memref<128x128xf32, #tpu.memory_space<hbm>>) target_semaphore(%arg10 : memref<!tpu.dma_semaphore, #tpu.memory_space<semaphore_mem>>)
    %dma_start3A_251 = arith.constant 3 : i32
    %dma_start3A_252 = arith.constant 3 : i32
    %dma_start3A_253 = arith.constant 0 : i32
    %dma_start3A_254 = arith.constant 0 : i32
    %dma_start3A_255 = tpu.memref_slice %arg7[%dma_start3A_252, %dma_start3A_253, %dma_start3A_254] : memref<5x128x128xf32, #tpu.memory_space<vmem>> -> memref<1x128x128xf32, #tpu.memory_space<vmem>>
    %dma_start3A_256 = tpu.memref_squeeze %dma_start3A_255 : memref<1x128x128xf32, #tpu.memory_space<vmem>> -> memref<128x128xf32, #tpu.memory_space<vmem>>
    %dma_start3A_257 = arith.constant 0 : i32
    %dma_start3A_258 = tpu.memref_slice %arg6[%dma_start3A_251, %dma_start3A_257] : memref<5x128xi32, #tpu.memory_space<vmem>> -> memref<1x128xi32, #tpu.memory_space<vmem>>
    %dma_start3A_259 = tpu.memref_squeeze %dma_start3A_258 : memref<1x128xi32, #tpu.memory_space<vmem>> -> memref<128xi32, #tpu.memory_space<vmem>>
    %dma_start3A_260 = arith.constant 0 : i32
    %dma_start3A_261 = arith.constant 0 : i32
    %dma_start3A_262 = tpu.memref_slice %arg2[%dma_start3A_260, %dma_start3A_261] : memref<2048x128xf32, #tpu.memory_space<hbm>> -> memref<2048x128xf32, #tpu.memory_space<hbm>>
    tpu.enqueue_indirect_dma source(%dma_start3A_262 : memref<2048x128xf32, #tpu.memory_space<hbm>>) target(%dma_start3A_256 : memref<128x128xf32, #tpu.memory_space<vmem>>) offsets(%dma_start3A_259 : memref<128xi32, #tpu.memory_space<vmem>>) semaphore(%arg9 : memref<!tpu.dma_semaphore, #tpu.memory_space<semaphore_mem>>)
    %dma_wait3A_263 = arith.constant 2 : i32
    %dma_wait3A_264 = arith.constant 2 : i32
    %dma_wait3A_265 = arith.constant 0 : i32
    %dma_wait3A_266 = arith.constant 0 : i32
    %dma_wait3A_267 = tpu.memref_slice %arg7[%dma_wait3A_264, %dma_wait3A_265, %dma_wait3A_266] : memref<5x128x128xf32, #tpu.memory_space<vmem>> -> memref<1x128x128xf32, #tpu.memory_space<vmem>>
    %dma_wait3A_268 = tpu.memref_squeeze %dma_wait3A_267 : memref<1x128x128xf32, #tpu.memory_space<vmem>> -> memref<128x128xf32, #tpu.memory_space<vmem>>
    %dma_wait3A_269 = arith.constant 0 : i32
    %dma_wait3A_270 = tpu.memref_slice %arg6[%dma_wait3A_263, %dma_wait3A_269] : memref<5x128xi32, #tpu.memory_space<vmem>> -> memref<1x128xi32, #tpu.memory_space<vmem>>
    %dma_wait3A_271 = tpu.memref_squeeze %dma_wait3A_270 : memref<1x128xi32, #tpu.memory_space<vmem>> -> memref<128xi32, #tpu.memory_space<vmem>>
    %dma_wait3A_272 = arith.constant 0 : i32
    %dma_wait3A_273 = arith.constant 0 : i32
    %dma_wait3A_274 = tpu.memref_slice %arg2[%dma_wait3A_272, %dma_wait3A_273] : memref<2048x128xf32, #tpu.memory_space<hbm>> -> memref<2048x128xf32, #tpu.memory_space<hbm>>
    tpu.wait_indirect_dma semaphore(%arg9 : memref<!tpu.dma_semaphore, #tpu.memory_space<semaphore_mem>>) src(%dma_wait3A_274 : memref<2048x128xf32, #tpu.memory_space<hbm>>) dst(%dma_wait3A_268 : memref<128x128xf32, #tpu.memory_space<vmem>>)
    %add3A_275 = arith.constant 256 : i32
    %add3A_276 = arith.addi %multiple_of3A, %add3A_275 : i32
    %dma_start3A_277 = arith.constant 2 : i32
    %dma_start3A_278 = arith.constant 0 : i32
    %dma_start3A_279 = arith.constant 0 : i32
    %dma_start3A_280 = tpu.memref_slice %arg7[%dma_start3A_277, %dma_start3A_278, %dma_start3A_279] : memref<5x128x128xf32, #tpu.memory_space<vmem>> -> memref<1x128x128xf32, #tpu.memory_space<vmem>>
    %dma_start3A_281 = tpu.memref_squeeze %dma_start3A_280 : memref<1x128x128xf32, #tpu.memory_space<vmem>> -> memref<128x128xf32, #tpu.memory_space<vmem>>
    %dma_start3A_282 = arith.constant 0 : i32
    %dma_start3A_283 = tpu.memref_slice %arg4[%add3A_276, %add3A_11, %dma_start3A_282] : memref<10000x4x128xf32, #tpu.memory_space<hbm>> -> memref<128x1x128xf32, #tpu.memory_space<hbm>>
    %dma_start3A_284 = tpu.memref_squeeze %dma_start3A_283 : memref<128x1x128xf32, #tpu.memory_space<hbm>> -> memref<128x128xf32, #tpu.memory_space<hbm>>
    %dma_start3A_285 = arith.constant 0 : i32
    %dma_start3A_286 = tpu.memref_slice %arg4[%add3A_276, %add3A_11, %dma_start3A_285] : memref<10000x4x128xf32, #tpu.memory_space<hbm>> -> memref<128x1x128xf32, #tpu.memory_space<hbm>>
    %dma_start3A_287 = tpu.memref_squeeze %dma_start3A_286 : memref<128x1x128xf32, #tpu.memory_space<hbm>> -> memref<128x128xf32, #tpu.memory_space<hbm>>
    %dma_start3A_288 = arith.constant 0 : i32
    %dma_start3A_289 = arith.constant 0 : i32
    %dma_start3A_290 = tpu.memref_slice %arg7[%dma_start3A_277, %dma_start3A_288, %dma_start3A_289] : memref<5x128x128xf32, #tpu.memory_space<vmem>> -> memref<1x128x128xf32, #tpu.memory_space<vmem>>
    %dma_start3A_291 = tpu.memref_squeeze %dma_start3A_290 : memref<1x128x128xf32, #tpu.memory_space<vmem>> -> memref<128x128xf32, #tpu.memory_space<vmem>>
    tpu.enqueue_dma source(%dma_start3A_291 : memref<128x128xf32, #tpu.memory_space<vmem>>) target(%dma_start3A_287 : memref<128x128xf32, #tpu.memory_space<hbm>>) target_semaphore(%arg10 : memref<!tpu.dma_semaphore, #tpu.memory_space<semaphore_mem>>)
    %dma_start3A_292 = arith.constant 4 : i32
    %dma_start3A_293 = arith.constant 4 : i32
    %dma_start3A_294 = arith.constant 0 : i32
    %dma_start3A_295 = arith.constant 0 : i32
    %dma_start3A_296 = tpu.memref_slice %arg7[%dma_start3A_293, %dma_start3A_294, %dma_start3A_295] : memref<5x128x128xf32, #tpu.memory_space<vmem>> -> memref<1x128x128xf32, #tpu.memory_space<vmem>>
    %dma_start3A_297 = tpu.memref_squeeze %dma_start3A_296 : memref<1x128x128xf32, #tpu.memory_space<vmem>> -> memref<128x128xf32, #tpu.memory_space<vmem>>
    %dma_start3A_298 = arith.constant 0 : i32
    %dma_start3A_299 = tpu.memref_slice %arg6[%dma_start3A_292, %dma_start3A_298] : memref<5x128xi32, #tpu.memory_space<vmem>> -> memref<1x128xi32, #tpu.memory_space<vmem>>
    %dma_start3A_300 = tpu.memref_squeeze %dma_start3A_299 : memref<1x128xi32, #tpu.memory_space<vmem>> -> memref<128xi32, #tpu.memory_space<vmem>>
    %dma_start3A_301 = arith.constant 0 : i32
    %dma_start3A_302 = arith.constant 0 : i32
    %dma_start3A_303 = tpu.memref_slice %arg2[%dma_start3A_301, %dma_start3A_302] : memref<2048x128xf32, #tpu.memory_space<hbm>> -> memref<2048x128xf32, #tpu.memory_space<hbm>>
    tpu.enqueue_indirect_dma source(%dma_start3A_303 : memref<2048x128xf32, #tpu.memory_space<hbm>>) target(%dma_start3A_297 : memref<128x128xf32, #tpu.memory_space<vmem>>) offsets(%dma_start3A_300 : memref<128xi32, #tpu.memory_space<vmem>>) semaphore(%arg9 : memref<!tpu.dma_semaphore, #tpu.memory_space<semaphore_mem>>)
    %dma_wait3A_304 = arith.constant 3 : i32
    %dma_wait3A_305 = arith.constant 3 : i32
    %dma_wait3A_306 = arith.constant 0 : i32
    %dma_wait3A_307 = arith.constant 0 : i32
    %dma_wait3A_308 = tpu.memref_slice %arg7[%dma_wait3A_305, %dma_wait3A_306, %dma_wait3A_307] : memref<5x128x128xf32, #tpu.memory_space<vmem>> -> memref<1x128x128xf32, #tpu.memory_space<vmem>>
    %dma_wait3A_309 = tpu.memref_squeeze %dma_wait3A_308 : memref<1x128x128xf32, #tpu.memory_space<vmem>> -> memref<128x128xf32, #tpu.memory_space<vmem>>
    %dma_wait3A_310 = arith.constant 0 : i32
    %dma_wait3A_311 = tpu.memref_slice %arg6[%dma_wait3A_304, %dma_wait3A_310] : memref<5x128xi32, #tpu.memory_space<vmem>> -> memref<1x128xi32, #tpu.memory_space<vmem>>
    %dma_wait3A_312 = tpu.memref_squeeze %dma_wait3A_311 : memref<1x128xi32, #tpu.memory_space<vmem>> -> memref<128xi32, #tpu.memory_space<vmem>>
    %dma_wait3A_313 = arith.constant 0 : i32
    %dma_wait3A_314 = arith.constant 0 : i32
    %dma_wait3A_315 = tpu.memref_slice %arg2[%dma_wait3A_313, %dma_wait3A_314] : memref<2048x128xf32, #tpu.memory_space<hbm>> -> memref<2048x128xf32, #tpu.memory_space<hbm>>
    tpu.wait_indirect_dma semaphore(%arg9 : memref<!tpu.dma_semaphore, #tpu.memory_space<semaphore_mem>>) src(%dma_wait3A_315 : memref<2048x128xf32, #tpu.memory_space<hbm>>) dst(%dma_wait3A_309 : memref<128x128xf32, #tpu.memory_space<vmem>>)
    %add3A_316 = arith.constant 384 : i32
    %add3A_317 = arith.addi %multiple_of3A, %add3A_316 : i32
    %dma_start3A_318 = arith.constant 3 : i32
    %dma_start3A_319 = arith.constant 0 : i32
    %dma_start3A_320 = arith.constant 0 : i32
    %dma_start3A_321 = tpu.memref_slice %arg7[%dma_start3A_318, %dma_start3A_319, %dma_start3A_320] : memref<5x128x128xf32, #tpu.memory_space<vmem>> -> memref<1x128x128xf32, #tpu.memory_space<vmem>>
    %dma_start3A_322 = tpu.memref_squeeze %dma_start3A_321 : memref<1x128x128xf32, #tpu.memory_space<vmem>> -> memref<128x128xf32, #tpu.memory_space<vmem>>
    %dma_start3A_323 = arith.constant 0 : i32
    %dma_start3A_324 = tpu.memref_slice %arg4[%add3A_317, %add3A_11, %dma_start3A_323] : memref<10000x4x128xf32, #tpu.memory_space<hbm>> -> memref<128x1x128xf32, #tpu.memory_space<hbm>>
    %dma_start3A_325 = tpu.memref_squeeze %dma_start3A_324 : memref<128x1x128xf32, #tpu.memory_space<hbm>> -> memref<128x128xf32, #tpu.memory_space<hbm>>
    %dma_start3A_326 = arith.constant 0 : i32
    %dma_start3A_327 = tpu.memref_slice %arg4[%add3A_317, %add3A_11, %dma_start3A_326] : memref<10000x4x128xf32, #tpu.memory_space<hbm>> -> memref<128x1x128xf32, #tpu.memory_space<hbm>>
    %dma_start3A_328 = tpu.memref_squeeze %dma_start3A_327 : memref<128x1x128xf32, #tpu.memory_space<hbm>> -> memref<128x128xf32, #tpu.memory_space<hbm>>
    %dma_start3A_329 = arith.constant 0 : i32
    %dma_start3A_330 = arith.constant 0 : i32
    %dma_start3A_331 = tpu.memref_slice %arg7[%dma_start3A_318, %dma_start3A_329, %dma_start3A_330] : memref<5x128x128xf32, #tpu.memory_space<vmem>> -> memref<1x128x128xf32, #tpu.memory_space<vmem>>
    %dma_start3A_332 = tpu.memref_squeeze %dma_start3A_331 : memref<1x128x128xf32, #tpu.memory_space<vmem>> -> memref<128x128xf32, #tpu.memory_space<vmem>>
    tpu.enqueue_dma source(%dma_start3A_332 : memref<128x128xf32, #tpu.memory_space<vmem>>) target(%dma_start3A_328 : memref<128x128xf32, #tpu.memory_space<hbm>>) target_semaphore(%arg10 : memref<!tpu.dma_semaphore, #tpu.memory_space<semaphore_mem>>)
    %dma_wait3A_333 = arith.constant 4 : i32
    %dma_wait3A_334 = arith.constant 4 : i32
    %dma_wait3A_335 = arith.constant 0 : i32
    %dma_wait3A_336 = arith.constant 0 : i32
    %dma_wait3A_337 = tpu.memref_slice %arg7[%dma_wait3A_334, %dma_wait3A_335, %dma_wait3A_336] : memref<5x128x128xf32, #tpu.memory_space<vmem>> -> memref<1x128x128xf32, #tpu.memory_space<vmem>>
    %dma_wait3A_338 = tpu.memref_squeeze %dma_wait3A_337 : memref<1x128x128xf32, #tpu.memory_space<vmem>> -> memref<128x128xf32, #tpu.memory_space<vmem>>
    %dma_wait3A_339 = arith.constant 0 : i32
    %dma_wait3A_340 = tpu.memref_slice %arg6[%dma_wait3A_333, %dma_wait3A_339] : memref<5x128xi32, #tpu.memory_space<vmem>> -> memref<1x128xi32, #tpu.memory_space<vmem>>
    %dma_wait3A_341 = tpu.memref_squeeze %dma_wait3A_340 : memref<1x128xi32, #tpu.memory_space<vmem>> -> memref<128xi32, #tpu.memory_space<vmem>>
    %dma_wait3A_342 = arith.constant 0 : i32
    %dma_wait3A_343 = arith.constant 0 : i32
    %dma_wait3A_344 = tpu.memref_slice %arg2[%dma_wait3A_342, %dma_wait3A_343] : memref<2048x128xf32, #tpu.memory_space<hbm>> -> memref<2048x128xf32, #tpu.memory_space<hbm>>
    tpu.wait_indirect_dma semaphore(%arg9 : memref<!tpu.dma_semaphore, #tpu.memory_space<semaphore_mem>>) src(%dma_wait3A_344 : memref<2048x128xf32, #tpu.memory_space<hbm>>) dst(%dma_wait3A_338 : memref<128x128xf32, #tpu.memory_space<vmem>>)
    %add3A_345 = arith.constant 512 : i32
    %add3A_346 = arith.addi %multiple_of3A, %add3A_345 : i32
    %dma_start3A_347 = arith.constant 4 : i32
    %dma_start3A_348 = arith.constant 0 : i32
    %dma_start3A_349 = arith.constant 0 : i32
    %dma_start3A_350 = tpu.memref_slice %arg7[%dma_start3A_347, %dma_start3A_348, %dma_start3A_349] : memref<5x128x128xf32, #tpu.memory_space<vmem>> -> memref<1x128x128xf32, #tpu.memory_space<vmem>>
    %dma_start3A_351 = tpu.memref_squeeze %dma_start3A_350 : memref<1x128x128xf32, #tpu.memory_space<vmem>> -> memref<128x128xf32, #tpu.memory_space<vmem>>
    %dma_start3A_352 = arith.constant 0 : i32
    %dma_start3A_353 = tpu.memref_slice %arg4[%add3A_346, %add3A_11, %dma_start3A_352] : memref<10000x4x128xf32, #tpu.memory_space<hbm>> -> memref<128x1x128xf32, #tpu.memory_space<hbm>>
    %dma_start3A_354 = tpu.memref_squeeze %dma_start3A_353 : memref<128x1x128xf32, #tpu.memory_space<hbm>> -> memref<128x128xf32, #tpu.memory_space<hbm>>
    %dma_start3A_355 = arith.constant 0 : i32
    %dma_start3A_356 = tpu.memref_slice %arg4[%add3A_346, %add3A_11, %dma_start3A_355] : memref<10000x4x128xf32, #tpu.memory_space<hbm>> -> memref<128x1x128xf32, #tpu.memory_space<hbm>>
    %dma_start3A_357 = tpu.memref_squeeze %dma_start3A_356 : memref<128x1x128xf32, #tpu.memory_space<hbm>> -> memref<128x128xf32, #tpu.memory_space<hbm>>
    %dma_start3A_358 = arith.constant 0 : i32
    %dma_start3A_359 = arith.constant 0 : i32
    %dma_start3A_360 = tpu.memref_slice %arg7[%dma_start3A_347, %dma_start3A_358, %dma_start3A_359] : memref<5x128x128xf32, #tpu.memory_space<vmem>> -> memref<1x128x128xf32, #tpu.memory_space<vmem>>
    %dma_start3A_361 = tpu.memref_squeeze %dma_start3A_360 : memref<1x128x128xf32, #tpu.memory_space<vmem>> -> memref<128x128xf32, #tpu.memory_space<vmem>>
    tpu.enqueue_dma source(%dma_start3A_361 : memref<128x128xf32, #tpu.memory_space<vmem>>) target(%dma_start3A_357 : memref<128x128xf32, #tpu.memory_space<hbm>>) target_semaphore(%arg10 : memref<!tpu.dma_semaphore, #tpu.memory_space<semaphore_mem>>)
    %dma_wait3A_362 = arith.constant 0 : i32
    %dma_wait3A_363 = arith.constant 0 : i32
    %dma_wait3A_364 = arith.constant 0 : i32
    %dma_wait3A_365 = tpu.memref_slice %arg7[%dma_wait3A_362, %dma_wait3A_363, %dma_wait3A_364] : memref<5x128x128xf32, #tpu.memory_space<vmem>> -> memref<1x128x128xf32, #tpu.memory_space<vmem>>
    %dma_wait3A_366 = tpu.memref_squeeze %dma_wait3A_365 : memref<1x128x128xf32, #tpu.memory_space<vmem>> -> memref<128x128xf32, #tpu.memory_space<vmem>>
    %dma_wait3A_367 = arith.constant 0 : i32
    %dma_wait3A_368 = tpu.memref_slice %arg4[%add3A_194, %add3A_11, %dma_wait3A_367] : memref<10000x4x128xf32, #tpu.memory_space<hbm>> -> memref<128x1x128xf32, #tpu.memory_space<hbm>>
    %dma_wait3A_369 = tpu.memref_squeeze %dma_wait3A_368 : memref<128x1x128xf32, #tpu.memory_space<hbm>> -> memref<128x128xf32, #tpu.memory_space<hbm>>
    %dma_wait3A_370 = arith.constant 0 : i32
    %dma_wait3A_371 = tpu.memref_slice %arg4[%add3A_194, %add3A_11, %dma_wait3A_370] : memref<10000x4x128xf32, #tpu.memory_space<hbm>> -> memref<128x1x128xf32, #tpu.memory_space<hbm>>
    %dma_wait3A_372 = tpu.memref_squeeze %dma_wait3A_371 : memref<128x1x128xf32, #tpu.memory_space<hbm>> -> memref<128x128xf32, #tpu.memory_space<hbm>>
    %dma_wait3A_373 = arith.constant 0 : i32
    %dma_wait3A_374 = arith.constant 0 : i32
    %dma_wait3A_375 = tpu.memref_slice %arg7[%dma_wait3A_362, %dma_wait3A_373, %dma_wait3A_374] : memref<5x128x128xf32, #tpu.memory_space<vmem>> -> memref<1x128x128xf32, #tpu.memory_space<vmem>>
    %dma_wait3A_376 = tpu.memref_squeeze %dma_wait3A_375 : memref<1x128x128xf32, #tpu.memory_space<vmem>> -> memref<128x128xf32, #tpu.memory_space<vmem>>
    tpu.wait_dma2 semaphore(%arg10 : memref<!tpu.dma_semaphore, #tpu.memory_space<semaphore_mem>>) src(%dma_wait3A_376 : memref<128x128xf32, #tpu.memory_space<vmem>>) dst(%dma_wait3A_372 : memref<128x128xf32, #tpu.memory_space<hbm>>)
    %dma_wait3A_377 = arith.constant 1 : i32
    %dma_wait3A_378 = arith.constant 0 : i32
    %dma_wait3A_379 = arith.constant 0 : i32
    %dma_wait3A_380 = tpu.memref_slice %arg7[%dma_wait3A_377, %dma_wait3A_378, %dma_wait3A_379] : memref<5x128x128xf32, #tpu.memory_space<vmem>> -> memref<1x128x128xf32, #tpu.memory_space<vmem>>
    %dma_wait3A_381 = tpu.memref_squeeze %dma_wait3A_380 : memref<1x128x128xf32, #tpu.memory_space<vmem>> -> memref<128x128xf32, #tpu.memory_space<vmem>>
    %dma_wait3A_382 = arith.constant 0 : i32
    %dma_wait3A_383 = tpu.memref_slice %arg4[%add3A_235, %add3A_11, %dma_wait3A_382] : memref<10000x4x128xf32, #tpu.memory_space<hbm>> -> memref<128x1x128xf32, #tpu.memory_space<hbm>>
    %dma_wait3A_384 = tpu.memref_squeeze %dma_wait3A_383 : memref<128x1x128xf32, #tpu.memory_space<hbm>> -> memref<128x128xf32, #tpu.memory_space<hbm>>
    %dma_wait3A_385 = arith.constant 0 : i32
    %dma_wait3A_386 = tpu.memref_slice %arg4[%add3A_235, %add3A_11, %dma_wait3A_385] : memref<10000x4x128xf32, #tpu.memory_space<hbm>> -> memref<128x1x128xf32, #tpu.memory_space<hbm>>
    %dma_wait3A_387 = tpu.memref_squeeze %dma_wait3A_386 : memref<128x1x128xf32, #tpu.memory_space<hbm>> -> memref<128x128xf32, #tpu.memory_space<hbm>>
    %dma_wait3A_388 = arith.constant 0 : i32
    %dma_wait3A_389 = arith.constant 0 : i32
    %dma_wait3A_390 = tpu.memref_slice %arg7[%dma_wait3A_377, %dma_wait3A_388, %dma_wait3A_389] : memref<5x128x128xf32, #tpu.memory_space<vmem>> -> memref<1x128x128xf32, #tpu.memory_space<vmem>>
    %dma_wait3A_391 = tpu.memref_squeeze %dma_wait3A_390 : memref<1x128x128xf32, #tpu.memory_space<vmem>> -> memref<128x128xf32, #tpu.memory_space<vmem>>
    tpu.wait_dma2 semaphore(%arg10 : memref<!tpu.dma_semaphore, #tpu.memory_space<semaphore_mem>>) src(%dma_wait3A_391 : memref<128x128xf32, #tpu.memory_space<vmem>>) dst(%dma_wait3A_387 : memref<128x128xf32, #tpu.memory_space<hbm>>)
    %dma_wait3A_392 = arith.constant 2 : i32
    %dma_wait3A_393 = arith.constant 0 : i32
    %dma_wait3A_394 = arith.constant 0 : i32
    %dma_wait3A_395 = tpu.memref_slice %arg7[%dma_wait3A_392, %dma_wait3A_393, %dma_wait3A_394] : memref<5x128x128xf32, #tpu.memory_space<vmem>> -> memref<1x128x128xf32, #tpu.memory_space<vmem>>
    %dma_wait3A_396 = tpu.memref_squeeze %dma_wait3A_395 : memref<1x128x128xf32, #tpu.memory_space<vmem>> -> memref<128x128xf32, #tpu.memory_space<vmem>>
    %dma_wait3A_397 = arith.constant 0 : i32
    %dma_wait3A_398 = tpu.memref_slice %arg4[%add3A_276, %add3A_11, %dma_wait3A_397] : memref<10000x4x128xf32, #tpu.memory_space<hbm>> -> memref<128x1x128xf32, #tpu.memory_space<hbm>>
    %dma_wait3A_399 = tpu.memref_squeeze %dma_wait3A_398 : memref<128x1x128xf32, #tpu.memory_space<hbm>> -> memref<128x128xf32, #tpu.memory_space<hbm>>
    %dma_wait3A_400 = arith.constant 0 : i32
    %dma_wait3A_401 = tpu.memref_slice %arg4[%add3A_276, %add3A_11, %dma_wait3A_400] : memref<10000x4x128xf32, #tpu.memory_space<hbm>> -> memref<128x1x128xf32, #tpu.memory_space<hbm>>
    %dma_wait3A_402 = tpu.memref_squeeze %dma_wait3A_401 : memref<128x1x128xf32, #tpu.memory_space<hbm>> -> memref<128x128xf32, #tpu.memory_space<hbm>>
    %dma_wait3A_403 = arith.constant 0 : i32
    %dma_wait3A_404 = arith.constant 0 : i32
    %dma_wait3A_405 = tpu.memref_slice %arg7[%dma_wait3A_392, %dma_wait3A_403, %dma_wait3A_404] : memref<5x128x128xf32, #tpu.memory_space<vmem>> -> memref<1x128x128xf32, #tpu.memory_space<vmem>>
    %dma_wait3A_406 = tpu.memref_squeeze %dma_wait3A_405 : memref<1x128x128xf32, #tpu.memory_space<vmem>> -> memref<128x128xf32, #tpu.memory_space<vmem>>
    tpu.wait_dma2 semaphore(%arg10 : memref<!tpu.dma_semaphore, #tpu.memory_space<semaphore_mem>>) src(%dma_wait3A_406 : memref<128x128xf32, #tpu.memory_space<vmem>>) dst(%dma_wait3A_402 : memref<128x128xf32, #tpu.memory_space<hbm>>)
    %dma_wait3A_407 = arith.constant 3 : i32
    %dma_wait3A_408 = arith.constant 0 : i32
    %dma_wait3A_409 = arith.constant 0 : i32
    %dma_wait3A_410 = tpu.memref_slice %arg7[%dma_wait3A_407, %dma_wait3A_408, %dma_wait3A_409] : memref<5x128x128xf32, #tpu.memory_space<vmem>> -> memref<1x128x128xf32, #tpu.memory_space<vmem>>
    %dma_wait3A_411 = tpu.memref_squeeze %dma_wait3A_410 : memref<1x128x128xf32, #tpu.memory_space<vmem>> -> memref<128x128xf32, #tpu.memory_space<vmem>>
    %dma_wait3A_412 = arith.constant 0 : i32
    %dma_wait3A_413 = tpu.memref_slice %arg4[%add3A_317, %add3A_11, %dma_wait3A_412] : memref<10000x4x128xf32, #tpu.memory_space<hbm>> -> memref<128x1x128xf32, #tpu.memory_space<hbm>>
    %dma_wait3A_414 = tpu.memref_squeeze %dma_wait3A_413 : memref<128x1x128xf32, #tpu.memory_space<hbm>> -> memref<128x128xf32, #tpu.memory_space<hbm>>
    %dma_wait3A_415 = arith.constant 0 : i32
    %dma_wait3A_416 = tpu.memref_slice %arg4[%add3A_317, %add3A_11, %dma_wait3A_415] : memref<10000x4x128xf32, #tpu.memory_space<hbm>> -> memref<128x1x128xf32, #tpu.memory_space<hbm>>
    %dma_wait3A_417 = tpu.memref_squeeze %dma_wait3A_416 : memref<128x1x128xf32, #tpu.memory_space<hbm>> -> memref<128x128xf32, #tpu.memory_space<hbm>>
    %dma_wait3A_418 = arith.constant 0 : i32
    %dma_wait3A_419 = arith.constant 0 : i32
    %dma_wait3A_420 = tpu.memref_slice %arg7[%dma_wait3A_407, %dma_wait3A_418, %dma_wait3A_419] : memref<5x128x128xf32, #tpu.memory_space<vmem>> -> memref<1x128x128xf32, #tpu.memory_space<vmem>>
    %dma_wait3A_421 = tpu.memref_squeeze %dma_wait3A_420 : memref<1x128x128xf32, #tpu.memory_space<vmem>> -> memref<128x128xf32, #tpu.memory_space<vmem>>
    tpu.wait_dma2 semaphore(%arg10 : memref<!tpu.dma_semaphore, #tpu.memory_space<semaphore_mem>>) src(%dma_wait3A_421 : memref<128x128xf32, #tpu.memory_space<vmem>>) dst(%dma_wait3A_417 : memref<128x128xf32, #tpu.memory_space<hbm>>)
    %dma_wait3A_422 = arith.constant 4 : i32
    %dma_wait3A_423 = arith.constant 0 : i32
    %dma_wait3A_424 = arith.constant 0 : i32
    %dma_wait3A_425 = tpu.memref_slice %arg7[%dma_wait3A_422, %dma_wait3A_423, %dma_wait3A_424] : memref<5x128x128xf32, #tpu.memory_space<vmem>> -> memref<1x128x128xf32, #tpu.memory_space<vmem>>
    %dma_wait3A_426 = tpu.memref_squeeze %dma_wait3A_425 : memref<1x128x128xf32, #tpu.memory_space<vmem>> -> memref<128x128xf32, #tpu.memory_space<vmem>>
    %dma_wait3A_427 = arith.constant 0 : i32
    %dma_wait3A_428 = tpu.memref_slice %arg4[%add3A_346, %add3A_11, %dma_wait3A_427] : memref<10000x4x128xf32, #tpu.memory_space<hbm>> -> memref<128x1x128xf32, #tpu.memory_space<hbm>>
    %dma_wait3A_429 = tpu.memref_squeeze %dma_wait3A_428 : memref<128x1x128xf32, #tpu.memory_space<hbm>> -> memref<128x128xf32, #tpu.memory_space<hbm>>
    %dma_wait3A_430 = arith.constant 0 : i32
    %dma_wait3A_431 = tpu.memref_slice %arg4[%add3A_346, %add3A_11, %dma_wait3A_430] : memref<10000x4x128xf32, #tpu.memory_space<hbm>> -> memref<128x1x128xf32, #tpu.memory_space<hbm>>
    %dma_wait3A_432 = tpu.memref_squeeze %dma_wait3A_431 : memref<128x1x128xf32, #tpu.memory_space<hbm>> -> memref<128x128xf32, #tpu.memory_space<hbm>>
    %dma_wait3A_433 = arith.constant 0 : i32
    %dma_wait3A_434 = arith.constant 0 : i32
    %dma_wait3A_435 = tpu.memref_slice %arg7[%dma_wait3A_422, %dma_wait3A_433, %dma_wait3A_434] : memref<5x128x128xf32, #tpu.memory_space<vmem>> -> memref<1x128x128xf32, #tpu.memory_space<vmem>>
    %dma_wait3A_436 = tpu.memref_squeeze %dma_wait3A_435 : memref<1x128x128xf32, #tpu.memory_space<vmem>> -> memref<128x128xf32, #tpu.memory_space<vmem>>
    tpu.wait_dma2 semaphore(%arg10 : memref<!tpu.dma_semaphore, #tpu.memory_space<semaphore_mem>>) src(%dma_wait3A_436 : memref<128x128xf32, #tpu.memory_space<vmem>>) dst(%dma_wait3A_432 : memref<128x128xf32, #tpu.memory_space<hbm>>)
    return
  }
}

#map = affine_map<(d0, d1) -> (0, 0)>
#map1 = affine_map<(d0, d1) -> (0)>
#map2 = affine_map<(d0, d1) -> (0, 0, 0)>
module attributes {stable_mosaic.version = 14 : i64} {
  func.func @_gather_body(%arg0: i32, %arg1: i32, %arg2: memref<2048x128xf32, #tpu.memory_space<hbm>>, %arg3: memref<20480xi32, #tpu.memory_space<hbm>>, %arg4: memref<10000x4x128xf32, #tpu.memory_space<hbm>>, %arg5: memref<5x128xi32, #tpu.memory_space<vmem>>, %arg6: memref<5x128x128xf32, #tpu.memory_space<vmem>>, %arg7: memref<!tpu.dma_semaphore, #tpu.memory_space<semaphore_mem>>, %arg8: memref<!tpu.dma_semaphore, #tpu.memory_space<semaphore_mem>>, %arg9: memref<!tpu.dma_semaphore, #tpu.memory_space<semaphore_mem>>) attributes {dimension_semantics = [#tpu.dimension_semantics<core_parallel>, #tpu.dimension_semantics<subcore_parallel>], iteration_bounds = array<i64: 2, 16>, scalar_prefetch = 0 : i64, scratch_operands = 5 : i64, tpu.core_type = #tpu.core_type<sc_vector_subcore>, window_params = [{transform_indices = #map}, {transform_indices = #map1}, {transform_indices = #map2}]} {
    %mul3A = arith.constant 2 : i32
    %mul3A_0 = arith.muli %arg1, %mul3A : i32
    %add3A = arith.addi %mul3A_0, %arg0 : i32
    %jit3A = arith.constant 2 : i32
    %eq3A = arith.constant 0 : i32
    %eq3A_1 = arith.cmpi eq, %jit3A, %eq3A : i32
    %jit3A_2 = arith.constant 1 : i32
    %select_n3A = arith.select %eq3A_1, %jit3A_2, %jit3A : i32
    %rem3A = arith.remsi %add3A, %select_n3A : i32
    %ne3A = arith.constant 0 : i32
    %ne3A_3 = arith.cmpi ne, %rem3A, %ne3A : i32
    %lt3A = arith.constant 0 : i32
    %lt3A_4 = arith.cmpi slt, %rem3A, %lt3A : i32
    %lt3A_5 = arith.constant 0 : i32
    %lt3A_6 = arith.cmpi slt, %select_n3A, %lt3A_5 : i32
    %ne3A_7 = arith.xori %lt3A_4, %lt3A_6 : i1
    %and3A = arith.andi %ne3A_7, %ne3A_3 : i1
    %add3A_8 = arith.addi %rem3A, %select_n3A : i32
    %select_n3A_9 = arith.select %and3A, %add3A_8, %rem3A : i32
    %add3A_10 = arith.constant 0 : i32
    %add3A_11 = arith.addi %add3A_10, %select_n3A_9 : i32
    %jit3A_12 = arith.constant 2 : i32
    %div3A = arith.divsi %add3A, %jit3A_12 : i32
    %sign3A = arith.constant 0 : i32
    %sign3A_13 = arith.cmpi sgt, %add3A, %sign3A : i32
    %sign3A_14 = arith.extui %sign3A_13 : i1 to i32
    %sign3A_15 = arith.constant 0 : i32
    %sign3A_16 = arith.cmpi slt, %add3A, %sign3A_15 : i32
    %sign3A_17 = arith.extui %sign3A_16 : i1 to i32
    %sign3A_18 = arith.subi %sign3A_14, %sign3A_17 : i32
    %sign3A_19 = arith.constant 0 : i32
    %sign3A_20 = arith.cmpi sgt, %jit3A_12, %sign3A_19 : i32
    %sign3A_21 = arith.extui %sign3A_20 : i1 to i32
    %sign3A_22 = arith.constant 0 : i32
    %sign3A_23 = arith.cmpi slt, %jit3A_12, %sign3A_22 : i32
    %sign3A_24 = arith.extui %sign3A_23 : i1 to i32
    %sign3A_25 = arith.subi %sign3A_21, %sign3A_24 : i32
    %ne3A_26 = arith.cmpi ne, %sign3A_18, %sign3A_25 : i32
    %rem3A_27 = arith.remsi %add3A, %jit3A_12 : i32
    %ne3A_28 = arith.constant 0 : i32
    %ne3A_29 = arith.cmpi ne, %rem3A_27, %ne3A_28 : i32
    %and3A_30 = arith.andi %ne3A_26, %ne3A_29 : i1
    %sub3A = arith.constant 1 : i32
    %sub3A_31 = arith.subi %div3A, %sub3A : i32
    %select_n3A_32 = arith.select %and3A_30, %sub3A_31, %div3A : i32
    %eq3A_33 = arith.constant 15 : i32
    %eq3A_34 = arith.cmpi eq, %select_n3A_32, %eq3A_33 : i32
    %mul3A_35 = arith.constant 640 : i32
    %mul3A_36 = arith.muli %select_n3A_32, %mul3A_35 : i32
    %jit3A_37 = arith.constant 9360 : i32
    %select_n3A_38 = arith.select %eq3A_34, %jit3A_37, %mul3A_36 : i32
    %multiple_of3A = tpu.assume_multiple %select_n3A_38, 8 : i32
    %mul3A_39 = arith.constant 10240 : i32
    %mul3A_40 = arith.muli %select_n3A_9, %mul3A_39 : i32
    %multiple_of3A_41 = tpu.assume_multiple %mul3A_40, 8 : i32
    %add3A_42 = arith.addi %multiple_of3A_41, %multiple_of3A : i32
    %add3A_43 = arith.constant 0 : i32
    %add3A_44 = arith.addi %add3A_42, %add3A_43 : i32
    %dma_start3A = arith.constant 0 : i32
    %dma_start3A_45 = arith.constant 0 : i32
    %dma_start3A_46 = tpu.memref_slice %arg5[%dma_start3A, %dma_start3A_45] : memref<5x128xi32, #tpu.memory_space<vmem>> -> memref<1x128xi32, #tpu.memory_space<vmem>>
    %dma_start3A_47 = tpu.memref_squeeze %dma_start3A_46 : memref<1x128xi32, #tpu.memory_space<vmem>> -> memref<128xi32, #tpu.memory_space<vmem>>
    %dma_start3A_48 = tpu.memref_slice %arg3[%add3A_44] : memref<20480xi32, #tpu.memory_space<hbm>> -> memref<128xi32, #tpu.memory_space<hbm>>
    %dma_start3A_49 = arith.constant 0 : i32
    %dma_start3A_50 = tpu.memref_slice %arg5[%dma_start3A, %dma_start3A_49] : memref<5x128xi32, #tpu.memory_space<vmem>> -> memref<1x128xi32, #tpu.memory_space<vmem>>
    %dma_start3A_51 = tpu.memref_squeeze %dma_start3A_50 : memref<1x128xi32, #tpu.memory_space<vmem>> -> memref<128xi32, #tpu.memory_space<vmem>>
    %dma_start3A_52 = tpu.memref_slice %arg3[%add3A_44] : memref<20480xi32, #tpu.memory_space<hbm>> -> memref<128xi32, #tpu.memory_space<hbm>>
    tpu.enqueue_dma source(%dma_start3A_52 : memref<128xi32, #tpu.memory_space<hbm>>) target(%dma_start3A_51 : memref<128xi32, #tpu.memory_space<vmem>>) target_semaphore(%arg7 : memref<!tpu.dma_semaphore, #tpu.memory_space<semaphore_mem>>)
    %mul3A_53 = arith.constant 10240 : i32
    %mul3A_54 = arith.muli %select_n3A_9, %mul3A_53 : i32
    %multiple_of3A_55 = tpu.assume_multiple %mul3A_54, 8 : i32
    %add3A_56 = arith.addi %multiple_of3A_55, %multiple_of3A : i32
    %add3A_57 = arith.constant 128 : i32
    %add3A_58 = arith.addi %add3A_56, %add3A_57 : i32
    %dma_start3A_59 = arith.constant 1 : i32
    %dma_start3A_60 = arith.constant 0 : i32
    %dma_start3A_61 = tpu.memref_slice %arg5[%dma_start3A_59, %dma_start3A_60] : memref<5x128xi32, #tpu.memory_space<vmem>> -> memref<1x128xi32, #tpu.memory_space<vmem>>
    %dma_start3A_62 = tpu.memref_squeeze %dma_start3A_61 : memref<1x128xi32, #tpu.memory_space<vmem>> -> memref<128xi32, #tpu.memory_space<vmem>>
    %dma_start3A_63 = tpu.memref_slice %arg3[%add3A_58] : memref<20480xi32, #tpu.memory_space<hbm>> -> memref<128xi32, #tpu.memory_space<hbm>>
    %dma_start3A_64 = arith.constant 0 : i32
    %dma_start3A_65 = tpu.memref_slice %arg5[%dma_start3A_59, %dma_start3A_64] : memref<5x128xi32, #tpu.memory_space<vmem>> -> memref<1x128xi32, #tpu.memory_space<vmem>>
    %dma_start3A_66 = tpu.memref_squeeze %dma_start3A_65 : memref<1x128xi32, #tpu.memory_space<vmem>> -> memref<128xi32, #tpu.memory_space<vmem>>
    %dma_start3A_67 = tpu.memref_slice %arg3[%add3A_58] : memref<20480xi32, #tpu.memory_space<hbm>> -> memref<128xi32, #tpu.memory_space<hbm>>
    tpu.enqueue_dma source(%dma_start3A_67 : memref<128xi32, #tpu.memory_space<hbm>>) target(%dma_start3A_66 : memref<128xi32, #tpu.memory_space<vmem>>) target_semaphore(%arg7 : memref<!tpu.dma_semaphore, #tpu.memory_space<semaphore_mem>>)
    %mul3A_68 = arith.constant 10240 : i32
    %mul3A_69 = arith.muli %select_n3A_9, %mul3A_68 : i32
    %multiple_of3A_70 = tpu.assume_multiple %mul3A_69, 8 : i32
    %add3A_71 = arith.addi %multiple_of3A_70, %multiple_of3A : i32
    %add3A_72 = arith.constant 256 : i32
    %add3A_73 = arith.addi %add3A_71, %add3A_72 : i32
    %dma_start3A_74 = arith.constant 2 : i32
    %dma_start3A_75 = arith.constant 0 : i32
    %dma_start3A_76 = tpu.memref_slice %arg5[%dma_start3A_74, %dma_start3A_75] : memref<5x128xi32, #tpu.memory_space<vmem>> -> memref<1x128xi32, #tpu.memory_space<vmem>>
    %dma_start3A_77 = tpu.memref_squeeze %dma_start3A_76 : memref<1x128xi32, #tpu.memory_space<vmem>> -> memref<128xi32, #tpu.memory_space<vmem>>
    %dma_start3A_78 = tpu.memref_slice %arg3[%add3A_73] : memref<20480xi32, #tpu.memory_space<hbm>> -> memref<128xi32, #tpu.memory_space<hbm>>
    %dma_start3A_79 = arith.constant 0 : i32
    %dma_start3A_80 = tpu.memref_slice %arg5[%dma_start3A_74, %dma_start3A_79] : memref<5x128xi32, #tpu.memory_space<vmem>> -> memref<1x128xi32, #tpu.memory_space<vmem>>
    %dma_start3A_81 = tpu.memref_squeeze %dma_start3A_80 : memref<1x128xi32, #tpu.memory_space<vmem>> -> memref<128xi32, #tpu.memory_space<vmem>>
    %dma_start3A_82 = tpu.memref_slice %arg3[%add3A_73] : memref<20480xi32, #tpu.memory_space<hbm>> -> memref<128xi32, #tpu.memory_space<hbm>>
    tpu.enqueue_dma source(%dma_start3A_82 : memref<128xi32, #tpu.memory_space<hbm>>) target(%dma_start3A_81 : memref<128xi32, #tpu.memory_space<vmem>>) target_semaphore(%arg7 : memref<!tpu.dma_semaphore, #tpu.memory_space<semaphore_mem>>)
    %mul3A_83 = arith.constant 10240 : i32
    %mul3A_84 = arith.muli %select_n3A_9, %mul3A_83 : i32
    %multiple_of3A_85 = tpu.assume_multiple %mul3A_84, 8 : i32
    %add3A_86 = arith.addi %multiple_of3A_85, %multiple_of3A : i32
    %add3A_87 = arith.constant 384 : i32
    %add3A_88 = arith.addi %add3A_86, %add3A_87 : i32
    %dma_start3A_89 = arith.constant 3 : i32
    %dma_start3A_90 = arith.constant 0 : i32
    %dma_start3A_91 = tpu.memref_slice %arg5[%dma_start3A_89, %dma_start3A_90] : memref<5x128xi32, #tpu.memory_space<vmem>> -> memref<1x128xi32, #tpu.memory_space<vmem>>
    %dma_start3A_92 = tpu.memref_squeeze %dma_start3A_91 : memref<1x128xi32, #tpu.memory_space<vmem>> -> memref<128xi32, #tpu.memory_space<vmem>>
    %dma_start3A_93 = tpu.memref_slice %arg3[%add3A_88] : memref<20480xi32, #tpu.memory_space<hbm>> -> memref<128xi32, #tpu.memory_space<hbm>>
    %dma_start3A_94 = arith.constant 0 : i32
    %dma_start3A_95 = tpu.memref_slice %arg5[%dma_start3A_89, %dma_start3A_94] : memref<5x128xi32, #tpu.memory_space<vmem>> -> memref<1x128xi32, #tpu.memory_space<vmem>>
    %dma_start3A_96 = tpu.memref_squeeze %dma_start3A_95 : memref<1x128xi32, #tpu.memory_space<vmem>> -> memref<128xi32, #tpu.memory_space<vmem>>
    %dma_start3A_97 = tpu.memref_slice %arg3[%add3A_88] : memref<20480xi32, #tpu.memory_space<hbm>> -> memref<128xi32, #tpu.memory_space<hbm>>
    tpu.enqueue_dma source(%dma_start3A_97 : memref<128xi32, #tpu.memory_space<hbm>>) target(%dma_start3A_96 : memref<128xi32, #tpu.memory_space<vmem>>) target_semaphore(%arg7 : memref<!tpu.dma_semaphore, #tpu.memory_space<semaphore_mem>>)
    %mul3A_98 = arith.constant 10240 : i32
    %mul3A_99 = arith.muli %select_n3A_9, %mul3A_98 : i32
    %multiple_of3A_100 = tpu.assume_multiple %mul3A_99, 8 : i32
    %add3A_101 = arith.addi %multiple_of3A_100, %multiple_of3A : i32
    %add3A_102 = arith.constant 512 : i32
    %add3A_103 = arith.addi %add3A_101, %add3A_102 : i32
    %dma_start3A_104 = arith.constant 4 : i32
    %dma_start3A_105 = arith.constant 0 : i32
    %dma_start3A_106 = tpu.memref_slice %arg5[%dma_start3A_104, %dma_start3A_105] : memref<5x128xi32, #tpu.memory_space<vmem>> -> memref<1x128xi32, #tpu.memory_space<vmem>>
    %dma_start3A_107 = tpu.memref_squeeze %dma_start3A_106 : memref<1x128xi32, #tpu.memory_space<vmem>> -> memref<128xi32, #tpu.memory_space<vmem>>
    %dma_start3A_108 = tpu.memref_slice %arg3[%add3A_103] : memref<20480xi32, #tpu.memory_space<hbm>> -> memref<128xi32, #tpu.memory_space<hbm>>
    %dma_start3A_109 = arith.constant 0 : i32
    %dma_start3A_110 = tpu.memref_slice %arg5[%dma_start3A_104, %dma_start3A_109] : memref<5x128xi32, #tpu.memory_space<vmem>> -> memref<1x128xi32, #tpu.memory_space<vmem>>
    %dma_start3A_111 = tpu.memref_squeeze %dma_start3A_110 : memref<1x128xi32, #tpu.memory_space<vmem>> -> memref<128xi32, #tpu.memory_space<vmem>>
    %dma_start3A_112 = tpu.memref_slice %arg3[%add3A_103] : memref<20480xi32, #tpu.memory_space<hbm>> -> memref<128xi32, #tpu.memory_space<hbm>>
    tpu.enqueue_dma source(%dma_start3A_112 : memref<128xi32, #tpu.memory_space<hbm>>) target(%dma_start3A_111 : memref<128xi32, #tpu.memory_space<vmem>>) target_semaphore(%arg7 : memref<!tpu.dma_semaphore, #tpu.memory_space<semaphore_mem>>)
    %dma_wait3A = arith.constant 0 : i32
    %dma_wait3A_113 = arith.constant 0 : i32
    %dma_wait3A_114 = tpu.memref_slice %arg5[%dma_wait3A, %dma_wait3A_113] : memref<5x128xi32, #tpu.memory_space<vmem>> -> memref<1x128xi32, #tpu.memory_space<vmem>>
    %dma_wait3A_115 = tpu.memref_squeeze %dma_wait3A_114 : memref<1x128xi32, #tpu.memory_space<vmem>> -> memref<128xi32, #tpu.memory_space<vmem>>
    %dma_wait3A_116 = tpu.memref_slice %arg3[%add3A_44] : memref<20480xi32, #tpu.memory_space<hbm>> -> memref<128xi32, #tpu.memory_space<hbm>>
    %dma_wait3A_117 = arith.constant 0 : i32
    %dma_wait3A_118 = tpu.memref_slice %arg5[%dma_wait3A, %dma_wait3A_117] : memref<5x128xi32, #tpu.memory_space<vmem>> -> memref<1x128xi32, #tpu.memory_space<vmem>>
    %dma_wait3A_119 = tpu.memref_squeeze %dma_wait3A_118 : memref<1x128xi32, #tpu.memory_space<vmem>> -> memref<128xi32, #tpu.memory_space<vmem>>
    %dma_wait3A_120 = tpu.memref_slice %arg3[%add3A_44] : memref<20480xi32, #tpu.memory_space<hbm>> -> memref<128xi32, #tpu.memory_space<hbm>>
    tpu.wait_dma2 semaphore(%arg7 : memref<!tpu.dma_semaphore, #tpu.memory_space<semaphore_mem>>) src(%dma_wait3A_120 : memref<128xi32, #tpu.memory_space<hbm>>) dst(%dma_wait3A_119 : memref<128xi32, #tpu.memory_space<vmem>>)
    %dma_wait3A_121 = arith.constant 1 : i32
    %dma_wait3A_122 = arith.constant 0 : i32
    %dma_wait3A_123 = tpu.memref_slice %arg5[%dma_wait3A_121, %dma_wait3A_122] : memref<5x128xi32, #tpu.memory_space<vmem>> -> memref<1x128xi32, #tpu.memory_space<vmem>>
    %dma_wait3A_124 = tpu.memref_squeeze %dma_wait3A_123 : memref<1x128xi32, #tpu.memory_space<vmem>> -> memref<128xi32, #tpu.memory_space<vmem>>
    %dma_wait3A_125 = tpu.memref_slice %arg3[%add3A_58] : memref<20480xi32, #tpu.memory_space<hbm>> -> memref<128xi32, #tpu.memory_space<hbm>>
    %dma_wait3A_126 = arith.constant 0 : i32
    %dma_wait3A_127 = tpu.memref_slice %arg5[%dma_wait3A_121, %dma_wait3A_126] : memref<5x128xi32, #tpu.memory_space<vmem>> -> memref<1x128xi32, #tpu.memory_space<vmem>>
    %dma_wait3A_128 = tpu.memref_squeeze %dma_wait3A_127 : memref<1x128xi32, #tpu.memory_space<vmem>> -> memref<128xi32, #tpu.memory_space<vmem>>
    %dma_wait3A_129 = tpu.memref_slice %arg3[%add3A_58] : memref<20480xi32, #tpu.memory_space<hbm>> -> memref<128xi32, #tpu.memory_space<hbm>>
    tpu.wait_dma2 semaphore(%arg7 : memref<!tpu.dma_semaphore, #tpu.memory_space<semaphore_mem>>) src(%dma_wait3A_129 : memref<128xi32, #tpu.memory_space<hbm>>) dst(%dma_wait3A_128 : memref<128xi32, #tpu.memory_space<vmem>>)
    %dma_wait3A_130 = arith.constant 2 : i32
    %dma_wait3A_131 = arith.constant 0 : i32
    %dma_wait3A_132 = tpu.memref_slice %arg5[%dma_wait3A_130, %dma_wait3A_131] : memref<5x128xi32, #tpu.memory_space<vmem>> -> memref<1x128xi32, #tpu.memory_space<vmem>>
    %dma_wait3A_133 = tpu.memref_squeeze %dma_wait3A_132 : memref<1x128xi32, #tpu.memory_space<vmem>> -> memref<128xi32, #tpu.memory_space<vmem>>
    %dma_wait3A_134 = tpu.memref_slice %arg3[%add3A_73] : memref<20480xi32, #tpu.memory_space<hbm>> -> memref<128xi32, #tpu.memory_space<hbm>>
    %dma_wait3A_135 = arith.constant 0 : i32
    %dma_wait3A_136 = tpu.memref_slice %arg5[%dma_wait3A_130, %dma_wait3A_135] : memref<5x128xi32, #tpu.memory_space<vmem>> -> memref<1x128xi32, #tpu.memory_space<vmem>>
    %dma_wait3A_137 = tpu.memref_squeeze %dma_wait3A_136 : memref<1x128xi32, #tpu.memory_space<vmem>> -> memref<128xi32, #tpu.memory_space<vmem>>
    %dma_wait3A_138 = tpu.memref_slice %arg3[%add3A_73] : memref<20480xi32, #tpu.memory_space<hbm>> -> memref<128xi32, #tpu.memory_space<hbm>>
    tpu.wait_dma2 semaphore(%arg7 : memref<!tpu.dma_semaphore, #tpu.memory_space<semaphore_mem>>) src(%dma_wait3A_138 : memref<128xi32, #tpu.memory_space<hbm>>) dst(%dma_wait3A_137 : memref<128xi32, #tpu.memory_space<vmem>>)
    %dma_wait3A_139 = arith.constant 3 : i32
    %dma_wait3A_140 = arith.constant 0 : i32
    %dma_wait3A_141 = tpu.memref_slice %arg5[%dma_wait3A_139, %dma_wait3A_140] : memref<5x128xi32, #tpu.memory_space<vmem>> -> memref<1x128xi32, #tpu.memory_space<vmem>>
    %dma_wait3A_142 = tpu.memref_squeeze %dma_wait3A_141 : memref<1x128xi32, #tpu.memory_space<vmem>> -> memref<128xi32, #tpu.memory_space<vmem>>
    %dma_wait3A_143 = tpu.memref_slice %arg3[%add3A_88] : memref<20480xi32, #tpu.memory_space<hbm>> -> memref<128xi32, #tpu.memory_space<hbm>>
    %dma_wait3A_144 = arith.constant 0 : i32
    %dma_wait3A_145 = tpu.memref_slice %arg5[%dma_wait3A_139, %dma_wait3A_144] : memref<5x128xi32, #tpu.memory_space<vmem>> -> memref<1x128xi32, #tpu.memory_space<vmem>>
    %dma_wait3A_146 = tpu.memref_squeeze %dma_wait3A_145 : memref<1x128xi32, #tpu.memory_space<vmem>> -> memref<128xi32, #tpu.memory_space<vmem>>
    %dma_wait3A_147 = tpu.memref_slice %arg3[%add3A_88] : memref<20480xi32, #tpu.memory_space<hbm>> -> memref<128xi32, #tpu.memory_space<hbm>>
    tpu.wait_dma2 semaphore(%arg7 : memref<!tpu.dma_semaphore, #tpu.memory_space<semaphore_mem>>) src(%dma_wait3A_147 : memref<128xi32, #tpu.memory_space<hbm>>) dst(%dma_wait3A_146 : memref<128xi32, #tpu.memory_space<vmem>>)
    %dma_wait3A_148 = arith.constant 4 : i32
    %dma_wait3A_149 = arith.constant 0 : i32
    %dma_wait3A_150 = tpu.memref_slice %arg5[%dma_wait3A_148, %dma_wait3A_149] : memref<5x128xi32, #tpu.memory_space<vmem>> -> memref<1x128xi32, #tpu.memory_space<vmem>>
    %dma_wait3A_151 = tpu.memref_squeeze %dma_wait3A_150 : memref<1x128xi32, #tpu.memory_space<vmem>> -> memref<128xi32, #tpu.memory_space<vmem>>
    %dma_wait3A_152 = tpu.memref_slice %arg3[%add3A_103] : memref<20480xi32, #tpu.memory_space<hbm>> -> memref<128xi32, #tpu.memory_space<hbm>>
    %dma_wait3A_153 = arith.constant 0 : i32
    %dma_wait3A_154 = tpu.memref_slice %arg5[%dma_wait3A_148, %dma_wait3A_153] : memref<5x128xi32, #tpu.memory_space<vmem>> -> memref<1x128xi32, #tpu.memory_space<vmem>>
    %dma_wait3A_155 = tpu.memref_squeeze %dma_wait3A_154 : memref<1x128xi32, #tpu.memory_space<vmem>> -> memref<128xi32, #tpu.memory_space<vmem>>
    %dma_wait3A_156 = tpu.memref_slice %arg3[%add3A_103] : memref<20480xi32, #tpu.memory_space<hbm>> -> memref<128xi32, #tpu.memory_space<hbm>>
    tpu.wait_dma2 semaphore(%arg7 : memref<!tpu.dma_semaphore, #tpu.memory_space<semaphore_mem>>) src(%dma_wait3A_156 : memref<128xi32, #tpu.memory_space<hbm>>) dst(%dma_wait3A_155 : memref<128xi32, #tpu.memory_space<vmem>>)
    %dma_start3A_157 = arith.constant 0 : i32
    %dma_start3A_158 = arith.constant 0 : i32
    %dma_start3A_159 = arith.constant 0 : i32
    %dma_start3A_160 = arith.constant 0 : i32
    %dma_start3A_161 = tpu.memref_slice %arg6[%dma_start3A_158, %dma_start3A_159, %dma_start3A_160] : memref<5x128x128xf32, #tpu.memory_space<vmem>> -> memref<1x128x128xf32, #tpu.memory_space<vmem>>
    %dma_start3A_162 = tpu.memref_squeeze %dma_start3A_161 : memref<1x128x128xf32, #tpu.memory_space<vmem>> -> memref<128x128xf32, #tpu.memory_space<vmem>>
    %dma_start3A_163 = arith.constant 0 : i32
    %dma_start3A_164 = tpu.memref_slice %arg5[%dma_start3A_157, %dma_start3A_163] : memref<5x128xi32, #tpu.memory_space<vmem>> -> memref<1x128xi32, #tpu.memory_space<vmem>>
    %dma_start3A_165 = tpu.memref_squeeze %dma_start3A_164 : memref<1x128xi32, #tpu.memory_space<vmem>> -> memref<128xi32, #tpu.memory_space<vmem>>
    %dma_start3A_166 = arith.constant 0 : i32
    %dma_start3A_167 = arith.constant 0 : i32
    %dma_start3A_168 = tpu.memref_slice %arg2[%dma_start3A_166, %dma_start3A_167] : memref<2048x128xf32, #tpu.memory_space<hbm>> -> memref<2048x128xf32, #tpu.memory_space<hbm>>
    tpu.enqueue_indirect_dma source(%dma_start3A_168 : memref<2048x128xf32, #tpu.memory_space<hbm>>) target(%dma_start3A_162 : memref<128x128xf32, #tpu.memory_space<vmem>>) offsets(%dma_start3A_165 : memref<128xi32, #tpu.memory_space<vmem>>) semaphore(%arg8 : memref<!tpu.dma_semaphore, #tpu.memory_space<semaphore_mem>>)
    %dma_start3A_169 = arith.constant 1 : i32
    %dma_start3A_170 = arith.constant 1 : i32
    %dma_start3A_171 = arith.constant 0 : i32
    %dma_start3A_172 = arith.constant 0 : i32
    %dma_start3A_173 = tpu.memref_slice %arg6[%dma_start3A_170, %dma_start3A_171, %dma_start3A_172] : memref<5x128x128xf32, #tpu.memory_space<vmem>> -> memref<1x128x128xf32, #tpu.memory_space<vmem>>
    %dma_start3A_174 = tpu.memref_squeeze %dma_start3A_173 : memref<1x128x128xf32, #tpu.memory_space<vmem>> -> memref<128x128xf32, #tpu.memory_space<vmem>>
    %dma_start3A_175 = arith.constant 0 : i32
    %dma_start3A_176 = tpu.memref_slice %arg5[%dma_start3A_169, %dma_start3A_175] : memref<5x128xi32, #tpu.memory_space<vmem>> -> memref<1x128xi32, #tpu.memory_space<vmem>>
    %dma_start3A_177 = tpu.memref_squeeze %dma_start3A_176 : memref<1x128xi32, #tpu.memory_space<vmem>> -> memref<128xi32, #tpu.memory_space<vmem>>
    %dma_start3A_178 = arith.constant 0 : i32
    %dma_start3A_179 = arith.constant 0 : i32
    %dma_start3A_180 = tpu.memref_slice %arg2[%dma_start3A_178, %dma_start3A_179] : memref<2048x128xf32, #tpu.memory_space<hbm>> -> memref<2048x128xf32, #tpu.memory_space<hbm>>
    tpu.enqueue_indirect_dma source(%dma_start3A_180 : memref<2048x128xf32, #tpu.memory_space<hbm>>) target(%dma_start3A_174 : memref<128x128xf32, #tpu.memory_space<vmem>>) offsets(%dma_start3A_177 : memref<128xi32, #tpu.memory_space<vmem>>) semaphore(%arg8 : memref<!tpu.dma_semaphore, #tpu.memory_space<semaphore_mem>>)
    %dma_wait3A_181 = arith.constant 0 : i32
    %dma_wait3A_182 = arith.constant 0 : i32
    %dma_wait3A_183 = arith.constant 0 : i32
    %dma_wait3A_184 = arith.constant 0 : i32
    %dma_wait3A_185 = tpu.memref_slice %arg6[%dma_wait3A_182, %dma_wait3A_183, %dma_wait3A_184] : memref<5x128x128xf32, #tpu.memory_space<vmem>> -> memref<1x128x128xf32, #tpu.memory_space<vmem>>
    %dma_wait3A_186 = tpu.memref_squeeze %dma_wait3A_185 : memref<1x128x128xf32, #tpu.memory_space<vmem>> -> memref<128x128xf32, #tpu.memory_space<vmem>>
    %dma_wait3A_187 = arith.constant 0 : i32
    %dma_wait3A_188 = tpu.memref_slice %arg5[%dma_wait3A_181, %dma_wait3A_187] : memref<5x128xi32, #tpu.memory_space<vmem>> -> memref<1x128xi32, #tpu.memory_space<vmem>>
    %dma_wait3A_189 = tpu.memref_squeeze %dma_wait3A_188 : memref<1x128xi32, #tpu.memory_space<vmem>> -> memref<128xi32, #tpu.memory_space<vmem>>
    %dma_wait3A_190 = arith.constant 0 : i32
    %dma_wait3A_191 = arith.constant 0 : i32
    %dma_wait3A_192 = tpu.memref_slice %arg2[%dma_wait3A_190, %dma_wait3A_191] : memref<2048x128xf32, #tpu.memory_space<hbm>> -> memref<2048x128xf32, #tpu.memory_space<hbm>>
    tpu.wait_indirect_dma semaphore(%arg8 : memref<!tpu.dma_semaphore, #tpu.memory_space<semaphore_mem>>) src(%dma_wait3A_192 : memref<2048x128xf32, #tpu.memory_space<hbm>>) dst(%dma_wait3A_186 : memref<128x128xf32, #tpu.memory_space<vmem>>)
    %add3A_193 = arith.constant 0 : i32
    %add3A_194 = arith.addi %multiple_of3A, %add3A_193 : i32
    %dma_start3A_195 = arith.constant 0 : i32
    %dma_start3A_196 = arith.constant 0 : i32
    %dma_start3A_197 = arith.constant 0 : i32
    %dma_start3A_198 = tpu.memref_slice %arg6[%dma_start3A_195, %dma_start3A_196, %dma_start3A_197] : memref<5x128x128xf32, #tpu.memory_space<vmem>> -> memref<1x128x128xf32, #tpu.memory_space<vmem>>
    %dma_start3A_199 = tpu.memref_squeeze %dma_start3A_198 : memref<1x128x128xf32, #tpu.memory_space<vmem>> -> memref<128x128xf32, #tpu.memory_space<vmem>>
    %dma_start3A_200 = arith.constant 0 : i32
    %dma_start3A_201 = tpu.memref_slice %arg4[%add3A_194, %add3A_11, %dma_start3A_200] : memref<10000x4x128xf32, #tpu.memory_space<hbm>> -> memref<128x1x128xf32, #tpu.memory_space<hbm>>
    %dma_start3A_202 = tpu.memref_squeeze %dma_start3A_201 : memref<128x1x128xf32, #tpu.memory_space<hbm>> -> memref<128x128xf32, #tpu.memory_space<hbm>>
    %dma_start3A_203 = arith.constant 0 : i32
    %dma_start3A_204 = tpu.memref_slice %arg4[%add3A_194, %add3A_11, %dma_start3A_203] : memref<10000x4x128xf32, #tpu.memory_space<hbm>> -> memref<128x1x128xf32, #tpu.memory_space<hbm>>
    %dma_start3A_205 = tpu.memref_squeeze %dma_start3A_204 : memref<128x1x128xf32, #tpu.memory_space<hbm>> -> memref<128x128xf32, #tpu.memory_space<hbm>>
    %dma_start3A_206 = arith.constant 0 : i32
    %dma_start3A_207 = arith.constant 0 : i32
    %dma_start3A_208 = tpu.memref_slice %arg6[%dma_start3A_195, %dma_start3A_206, %dma_start3A_207] : memref<5x128x128xf32, #tpu.memory_space<vmem>> -> memref<1x128x128xf32, #tpu.memory_space<vmem>>
    %dma_start3A_209 = tpu.memref_squeeze %dma_start3A_208 : memref<1x128x128xf32, #tpu.memory_space<vmem>> -> memref<128x128xf32, #tpu.memory_space<vmem>>
    tpu.enqueue_dma source(%dma_start3A_209 : memref<128x128xf32, #tpu.memory_space<vmem>>) target(%dma_start3A_205 : memref<128x128xf32, #tpu.memory_space<hbm>>) target_semaphore(%arg9 : memref<!tpu.dma_semaphore, #tpu.memory_space<semaphore_mem>>)
    %dma_start3A_210 = arith.constant 2 : i32
    %dma_start3A_211 = arith.constant 2 : i32
    %dma_start3A_212 = arith.constant 0 : i32
    %dma_start3A_213 = arith.constant 0 : i32
    %dma_start3A_214 = tpu.memref_slice %arg6[%dma_start3A_211, %dma_start3A_212, %dma_start3A_213] : memref<5x128x128xf32, #tpu.memory_space<vmem>> -> memref<1x128x128xf32, #tpu.memory_space<vmem>>
    %dma_start3A_215 = tpu.memref_squeeze %dma_start3A_214 : memref<1x128x128xf32, #tpu.memory_space<vmem>> -> memref<128x128xf32, #tpu.memory_space<vmem>>
    %dma_start3A_216 = arith.constant 0 : i32
    %dma_start3A_217 = tpu.memref_slice %arg5[%dma_start3A_210, %dma_start3A_216] : memref<5x128xi32, #tpu.memory_space<vmem>> -> memref<1x128xi32, #tpu.memory_space<vmem>>
    %dma_start3A_218 = tpu.memref_squeeze %dma_start3A_217 : memref<1x128xi32, #tpu.memory_space<vmem>> -> memref<128xi32, #tpu.memory_space<vmem>>
    %dma_start3A_219 = arith.constant 0 : i32
    %dma_start3A_220 = arith.constant 0 : i32
    %dma_start3A_221 = tpu.memref_slice %arg2[%dma_start3A_219, %dma_start3A_220] : memref<2048x128xf32, #tpu.memory_space<hbm>> -> memref<2048x128xf32, #tpu.memory_space<hbm>>
    tpu.enqueue_indirect_dma source(%dma_start3A_221 : memref<2048x128xf32, #tpu.memory_space<hbm>>) target(%dma_start3A_215 : memref<128x128xf32, #tpu.memory_space<vmem>>) offsets(%dma_start3A_218 : memref<128xi32, #tpu.memory_space<vmem>>) semaphore(%arg8 : memref<!tpu.dma_semaphore, #tpu.memory_space<semaphore_mem>>)
    %dma_wait3A_222 = arith.constant 1 : i32
    %dma_wait3A_223 = arith.constant 1 : i32
    %dma_wait3A_224 = arith.constant 0 : i32
    %dma_wait3A_225 = arith.constant 0 : i32
    %dma_wait3A_226 = tpu.memref_slice %arg6[%dma_wait3A_223, %dma_wait3A_224, %dma_wait3A_225] : memref<5x128x128xf32, #tpu.memory_space<vmem>> -> memref<1x128x128xf32, #tpu.memory_space<vmem>>
    %dma_wait3A_227 = tpu.memref_squeeze %dma_wait3A_226 : memref<1x128x128xf32, #tpu.memory_space<vmem>> -> memref<128x128xf32, #tpu.memory_space<vmem>>
    %dma_wait3A_228 = arith.constant 0 : i32
    %dma_wait3A_229 = tpu.memref_slice %arg5[%dma_wait3A_222, %dma_wait3A_228] : memref<5x128xi32, #tpu.memory_space<vmem>> -> memref<1x128xi32, #tpu.memory_space<vmem>>
    %dma_wait3A_230 = tpu.memref_squeeze %dma_wait3A_229 : memref<1x128xi32, #tpu.memory_space<vmem>> -> memref<128xi32, #tpu.memory_space<vmem>>
    %dma_wait3A_231 = arith.constant 0 : i32
    %dma_wait3A_232 = arith.constant 0 : i32
    %dma_wait3A_233 = tpu.memref_slice %arg2[%dma_wait3A_231, %dma_wait3A_232] : memref<2048x128xf32, #tpu.memory_space<hbm>> -> memref<2048x128xf32, #tpu.memory_space<hbm>>
    tpu.wait_indirect_dma semaphore(%arg8 : memref<!tpu.dma_semaphore, #tpu.memory_space<semaphore_mem>>) src(%dma_wait3A_233 : memref<2048x128xf32, #tpu.memory_space<hbm>>) dst(%dma_wait3A_227 : memref<128x128xf32, #tpu.memory_space<vmem>>)
    %add3A_234 = arith.constant 128 : i32
    %add3A_235 = arith.addi %multiple_of3A, %add3A_234 : i32
    %dma_start3A_236 = arith.constant 1 : i32
    %dma_start3A_237 = arith.constant 0 : i32
    %dma_start3A_238 = arith.constant 0 : i32
    %dma_start3A_239 = tpu.memref_slice %arg6[%dma_start3A_236, %dma_start3A_237, %dma_start3A_238] : memref<5x128x128xf32, #tpu.memory_space<vmem>> -> memref<1x128x128xf32, #tpu.memory_space<vmem>>
    %dma_start3A_240 = tpu.memref_squeeze %dma_start3A_239 : memref<1x128x128xf32, #tpu.memory_space<vmem>> -> memref<128x128xf32, #tpu.memory_space<vmem>>
    %dma_start3A_241 = arith.constant 0 : i32
    %dma_start3A_242 = tpu.memref_slice %arg4[%add3A_235, %add3A_11, %dma_start3A_241] : memref<10000x4x128xf32, #tpu.memory_space<hbm>> -> memref<128x1x128xf32, #tpu.memory_space<hbm>>
    %dma_start3A_243 = tpu.memref_squeeze %dma_start3A_242 : memref<128x1x128xf32, #tpu.memory_space<hbm>> -> memref<128x128xf32, #tpu.memory_space<hbm>>
    %dma_start3A_244 = arith.constant 0 : i32
    %dma_start3A_245 = tpu.memref_slice %arg4[%add3A_235, %add3A_11, %dma_start3A_244] : memref<10000x4x128xf32, #tpu.memory_space<hbm>> -> memref<128x1x128xf32, #tpu.memory_space<hbm>>
    %dma_start3A_246 = tpu.memref_squeeze %dma_start3A_245 : memref<128x1x128xf32, #tpu.memory_space<hbm>> -> memref<128x128xf32, #tpu.memory_space<hbm>>
    %dma_start3A_247 = arith.constant 0 : i32
    %dma_start3A_248 = arith.constant 0 : i32
    %dma_start3A_249 = tpu.memref_slice %arg6[%dma_start3A_236, %dma_start3A_247, %dma_start3A_248] : memref<5x128x128xf32, #tpu.memory_space<vmem>> -> memref<1x128x128xf32, #tpu.memory_space<vmem>>
    %dma_start3A_250 = tpu.memref_squeeze %dma_start3A_249 : memref<1x128x128xf32, #tpu.memory_space<vmem>> -> memref<128x128xf32, #tpu.memory_space<vmem>>
    tpu.enqueue_dma source(%dma_start3A_250 : memref<128x128xf32, #tpu.memory_space<vmem>>) target(%dma_start3A_246 : memref<128x128xf32, #tpu.memory_space<hbm>>) target_semaphore(%arg9 : memref<!tpu.dma_semaphore, #tpu.memory_space<semaphore_mem>>)
    %dma_start3A_251 = arith.constant 3 : i32
    %dma_start3A_252 = arith.constant 3 : i32
    %dma_start3A_253 = arith.constant 0 : i32
    %dma_start3A_254 = arith.constant 0 : i32
    %dma_start3A_255 = tpu.memref_slice %arg6[%dma_start3A_252, %dma_start3A_253, %dma_start3A_254] : memref<5x128x128xf32, #tpu.memory_space<vmem>> -> memref<1x128x128xf32, #tpu.memory_space<vmem>>
    %dma_start3A_256 = tpu.memref_squeeze %dma_start3A_255 : memref<1x128x128xf32, #tpu.memory_space<vmem>> -> memref<128x128xf32, #tpu.memory_space<vmem>>
    %dma_start3A_257 = arith.constant 0 : i32
    %dma_start3A_258 = tpu.memref_slice %arg5[%dma_start3A_251, %dma_start3A_257] : memref<5x128xi32, #tpu.memory_space<vmem>> -> memref<1x128xi32, #tpu.memory_space<vmem>>
    %dma_start3A_259 = tpu.memref_squeeze %dma_start3A_258 : memref<1x128xi32, #tpu.memory_space<vmem>> -> memref<128xi32, #tpu.memory_space<vmem>>
    %dma_start3A_260 = arith.constant 0 : i32
    %dma_start3A_261 = arith.constant 0 : i32
    %dma_start3A_262 = tpu.memref_slice %arg2[%dma_start3A_260, %dma_start3A_261] : memref<2048x128xf32, #tpu.memory_space<hbm>> -> memref<2048x128xf32, #tpu.memory_space<hbm>>
    tpu.enqueue_indirect_dma source(%dma_start3A_262 : memref<2048x128xf32, #tpu.memory_space<hbm>>) target(%dma_start3A_256 : memref<128x128xf32, #tpu.memory_space<vmem>>) offsets(%dma_start3A_259 : memref<128xi32, #tpu.memory_space<vmem>>) semaphore(%arg8 : memref<!tpu.dma_semaphore, #tpu.memory_space<semaphore_mem>>)
    %dma_wait3A_263 = arith.constant 2 : i32
    %dma_wait3A_264 = arith.constant 2 : i32
    %dma_wait3A_265 = arith.constant 0 : i32
    %dma_wait3A_266 = arith.constant 0 : i32
    %dma_wait3A_267 = tpu.memref_slice %arg6[%dma_wait3A_264, %dma_wait3A_265, %dma_wait3A_266] : memref<5x128x128xf32, #tpu.memory_space<vmem>> -> memref<1x128x128xf32, #tpu.memory_space<vmem>>
    %dma_wait3A_268 = tpu.memref_squeeze %dma_wait3A_267 : memref<1x128x128xf32, #tpu.memory_space<vmem>> -> memref<128x128xf32, #tpu.memory_space<vmem>>
    %dma_wait3A_269 = arith.constant 0 : i32
    %dma_wait3A_270 = tpu.memref_slice %arg5[%dma_wait3A_263, %dma_wait3A_269] : memref<5x128xi32, #tpu.memory_space<vmem>> -> memref<1x128xi32, #tpu.memory_space<vmem>>
    %dma_wait3A_271 = tpu.memref_squeeze %dma_wait3A_270 : memref<1x128xi32, #tpu.memory_space<vmem>> -> memref<128xi32, #tpu.memory_space<vmem>>
    %dma_wait3A_272 = arith.constant 0 : i32
    %dma_wait3A_273 = arith.constant 0 : i32
    %dma_wait3A_274 = tpu.memref_slice %arg2[%dma_wait3A_272, %dma_wait3A_273] : memref<2048x128xf32, #tpu.memory_space<hbm>> -> memref<2048x128xf32, #tpu.memory_space<hbm>>
    tpu.wait_indirect_dma semaphore(%arg8 : memref<!tpu.dma_semaphore, #tpu.memory_space<semaphore_mem>>) src(%dma_wait3A_274 : memref<2048x128xf32, #tpu.memory_space<hbm>>) dst(%dma_wait3A_268 : memref<128x128xf32, #tpu.memory_space<vmem>>)
    %add3A_275 = arith.constant 256 : i32
    %add3A_276 = arith.addi %multiple_of3A, %add3A_275 : i32
    %dma_start3A_277 = arith.constant 2 : i32
    %dma_start3A_278 = arith.constant 0 : i32
    %dma_start3A_279 = arith.constant 0 : i32
    %dma_start3A_280 = tpu.memref_slice %arg6[%dma_start3A_277, %dma_start3A_278, %dma_start3A_279] : memref<5x128x128xf32, #tpu.memory_space<vmem>> -> memref<1x128x128xf32, #tpu.memory_space<vmem>>
    %dma_start3A_281 = tpu.memref_squeeze %dma_start3A_280 : memref<1x128x128xf32, #tpu.memory_space<vmem>> -> memref<128x128xf32, #tpu.memory_space<vmem>>
    %dma_start3A_282 = arith.constant 0 : i32
    %dma_start3A_283 = tpu.memref_slice %arg4[%add3A_276, %add3A_11, %dma_start3A_282] : memref<10000x4x128xf32, #tpu.memory_space<hbm>> -> memref<128x1x128xf32, #tpu.memory_space<hbm>>
    %dma_start3A_284 = tpu.memref_squeeze %dma_start3A_283 : memref<128x1x128xf32, #tpu.memory_space<hbm>> -> memref<128x128xf32, #tpu.memory_space<hbm>>
    %dma_start3A_285 = arith.constant 0 : i32
    %dma_start3A_286 = tpu.memref_slice %arg4[%add3A_276, %add3A_11, %dma_start3A_285] : memref<10000x4x128xf32, #tpu.memory_space<hbm>> -> memref<128x1x128xf32, #tpu.memory_space<hbm>>
    %dma_start3A_287 = tpu.memref_squeeze %dma_start3A_286 : memref<128x1x128xf32, #tpu.memory_space<hbm>> -> memref<128x128xf32, #tpu.memory_space<hbm>>
    %dma_start3A_288 = arith.constant 0 : i32
    %dma_start3A_289 = arith.constant 0 : i32
    %dma_start3A_290 = tpu.memref_slice %arg6[%dma_start3A_277, %dma_start3A_288, %dma_start3A_289] : memref<5x128x128xf32, #tpu.memory_space<vmem>> -> memref<1x128x128xf32, #tpu.memory_space<vmem>>
    %dma_start3A_291 = tpu.memref_squeeze %dma_start3A_290 : memref<1x128x128xf32, #tpu.memory_space<vmem>> -> memref<128x128xf32, #tpu.memory_space<vmem>>
    tpu.enqueue_dma source(%dma_start3A_291 : memref<128x128xf32, #tpu.memory_space<vmem>>) target(%dma_start3A_287 : memref<128x128xf32, #tpu.memory_space<hbm>>) target_semaphore(%arg9 : memref<!tpu.dma_semaphore, #tpu.memory_space<semaphore_mem>>)
    %dma_start3A_292 = arith.constant 4 : i32
    %dma_start3A_293 = arith.constant 4 : i32
    %dma_start3A_294 = arith.constant 0 : i32
    %dma_start3A_295 = arith.constant 0 : i32
    %dma_start3A_296 = tpu.memref_slice %arg6[%dma_start3A_293, %dma_start3A_294, %dma_start3A_295] : memref<5x128x128xf32, #tpu.memory_space<vmem>> -> memref<1x128x128xf32, #tpu.memory_space<vmem>>
    %dma_start3A_297 = tpu.memref_squeeze %dma_start3A_296 : memref<1x128x128xf32, #tpu.memory_space<vmem>> -> memref<128x128xf32, #tpu.memory_space<vmem>>
    %dma_start3A_298 = arith.constant 0 : i32
    %dma_start3A_299 = tpu.memref_slice %arg5[%dma_start3A_292, %dma_start3A_298] : memref<5x128xi32, #tpu.memory_space<vmem>> -> memref<1x128xi32, #tpu.memory_space<vmem>>
    %dma_start3A_300 = tpu.memref_squeeze %dma_start3A_299 : memref<1x128xi32, #tpu.memory_space<vmem>> -> memref<128xi32, #tpu.memory_space<vmem>>
    %dma_start3A_301 = arith.constant 0 : i32
    %dma_start3A_302 = arith.constant 0 : i32
    %dma_start3A_303 = tpu.memref_slice %arg2[%dma_start3A_301, %dma_start3A_302] : memref<2048x128xf32, #tpu.memory_space<hbm>> -> memref<2048x128xf32, #tpu.memory_space<hbm>>
    tpu.enqueue_indirect_dma source(%dma_start3A_303 : memref<2048x128xf32, #tpu.memory_space<hbm>>) target(%dma_start3A_297 : memref<128x128xf32, #tpu.memory_space<vmem>>) offsets(%dma_start3A_300 : memref<128xi32, #tpu.memory_space<vmem>>) semaphore(%arg8 : memref<!tpu.dma_semaphore, #tpu.memory_space<semaphore_mem>>)
    %dma_wait3A_304 = arith.constant 3 : i32
    %dma_wait3A_305 = arith.constant 3 : i32
    %dma_wait3A_306 = arith.constant 0 : i32
    %dma_wait3A_307 = arith.constant 0 : i32
    %dma_wait3A_308 = tpu.memref_slice %arg6[%dma_wait3A_305, %dma_wait3A_306, %dma_wait3A_307] : memref<5x128x128xf32, #tpu.memory_space<vmem>> -> memref<1x128x128xf32, #tpu.memory_space<vmem>>
    %dma_wait3A_309 = tpu.memref_squeeze %dma_wait3A_308 : memref<1x128x128xf32, #tpu.memory_space<vmem>> -> memref<128x128xf32, #tpu.memory_space<vmem>>
    %dma_wait3A_310 = arith.constant 0 : i32
    %dma_wait3A_311 = tpu.memref_slice %arg5[%dma_wait3A_304, %dma_wait3A_310] : memref<5x128xi32, #tpu.memory_space<vmem>> -> memref<1x128xi32, #tpu.memory_space<vmem>>
    %dma_wait3A_312 = tpu.memref_squeeze %dma_wait3A_311 : memref<1x128xi32, #tpu.memory_space<vmem>> -> memref<128xi32, #tpu.memory_space<vmem>>
    %dma_wait3A_313 = arith.constant 0 : i32
    %dma_wait3A_314 = arith.constant 0 : i32
    %dma_wait3A_315 = tpu.memref_slice %arg2[%dma_wait3A_313, %dma_wait3A_314] : memref<2048x128xf32, #tpu.memory_space<hbm>> -> memref<2048x128xf32, #tpu.memory_space<hbm>>
    tpu.wait_indirect_dma semaphore(%arg8 : memref<!tpu.dma_semaphore, #tpu.memory_space<semaphore_mem>>) src(%dma_wait3A_315 : memref<2048x128xf32, #tpu.memory_space<hbm>>) dst(%dma_wait3A_309 : memref<128x128xf32, #tpu.memory_space<vmem>>)
    %add3A_316 = arith.constant 384 : i32
    %add3A_317 = arith.addi %multiple_of3A, %add3A_316 : i32
    %dma_start3A_318 = arith.constant 3 : i32
    %dma_start3A_319 = arith.constant 0 : i32
    %dma_start3A_320 = arith.constant 0 : i32
    %dma_start3A_321 = tpu.memref_slice %arg6[%dma_start3A_318, %dma_start3A_319, %dma_start3A_320] : memref<5x128x128xf32, #tpu.memory_space<vmem>> -> memref<1x128x128xf32, #tpu.memory_space<vmem>>
    %dma_start3A_322 = tpu.memref_squeeze %dma_start3A_321 : memref<1x128x128xf32, #tpu.memory_space<vmem>> -> memref<128x128xf32, #tpu.memory_space<vmem>>
    %dma_start3A_323 = arith.constant 0 : i32
    %dma_start3A_324 = tpu.memref_slice %arg4[%add3A_317, %add3A_11, %dma_start3A_323] : memref<10000x4x128xf32, #tpu.memory_space<hbm>> -> memref<128x1x128xf32, #tpu.memory_space<hbm>>
    %dma_start3A_325 = tpu.memref_squeeze %dma_start3A_324 : memref<128x1x128xf32, #tpu.memory_space<hbm>> -> memref<128x128xf32, #tpu.memory_space<hbm>>
    %dma_start3A_326 = arith.constant 0 : i32
    %dma_start3A_327 = tpu.memref_slice %arg4[%add3A_317, %add3A_11, %dma_start3A_326] : memref<10000x4x128xf32, #tpu.memory_space<hbm>> -> memref<128x1x128xf32, #tpu.memory_space<hbm>>
    %dma_start3A_328 = tpu.memref_squeeze %dma_start3A_327 : memref<128x1x128xf32, #tpu.memory_space<hbm>> -> memref<128x128xf32, #tpu.memory_space<hbm>>
    %dma_start3A_329 = arith.constant 0 : i32
    %dma_start3A_330 = arith.constant 0 : i32
    %dma_start3A_331 = tpu.memref_slice %arg6[%dma_start3A_318, %dma_start3A_329, %dma_start3A_330] : memref<5x128x128xf32, #tpu.memory_space<vmem>> -> memref<1x128x128xf32, #tpu.memory_space<vmem>>
    %dma_start3A_332 = tpu.memref_squeeze %dma_start3A_331 : memref<1x128x128xf32, #tpu.memory_space<vmem>> -> memref<128x128xf32, #tpu.memory_space<vmem>>
    tpu.enqueue_dma source(%dma_start3A_332 : memref<128x128xf32, #tpu.memory_space<vmem>>) target(%dma_start3A_328 : memref<128x128xf32, #tpu.memory_space<hbm>>) target_semaphore(%arg9 : memref<!tpu.dma_semaphore, #tpu.memory_space<semaphore_mem>>)
    %dma_wait3A_333 = arith.constant 4 : i32
    %dma_wait3A_334 = arith.constant 4 : i32
    %dma_wait3A_335 = arith.constant 0 : i32
    %dma_wait3A_336 = arith.constant 0 : i32
    %dma_wait3A_337 = tpu.memref_slice %arg6[%dma_wait3A_334, %dma_wait3A_335, %dma_wait3A_336] : memref<5x128x128xf32, #tpu.memory_space<vmem>> -> memref<1x128x128xf32, #tpu.memory_space<vmem>>
    %dma_wait3A_338 = tpu.memref_squeeze %dma_wait3A_337 : memref<1x128x128xf32, #tpu.memory_space<vmem>> -> memref<128x128xf32, #tpu.memory_space<vmem>>
    %dma_wait3A_339 = arith.constant 0 : i32
    %dma_wait3A_340 = tpu.memref_slice %arg5[%dma_wait3A_333, %dma_wait3A_339] : memref<5x128xi32, #tpu.memory_space<vmem>> -> memref<1x128xi32, #tpu.memory_space<vmem>>
    %dma_wait3A_341 = tpu.memref_squeeze %dma_wait3A_340 : memref<1x128xi32, #tpu.memory_space<vmem>> -> memref<128xi32, #tpu.memory_space<vmem>>
    %dma_wait3A_342 = arith.constant 0 : i32
    %dma_wait3A_343 = arith.constant 0 : i32
    %dma_wait3A_344 = tpu.memref_slice %arg2[%dma_wait3A_342, %dma_wait3A_343] : memref<2048x128xf32, #tpu.memory_space<hbm>> -> memref<2048x128xf32, #tpu.memory_space<hbm>>
    tpu.wait_indirect_dma semaphore(%arg8 : memref<!tpu.dma_semaphore, #tpu.memory_space<semaphore_mem>>) src(%dma_wait3A_344 : memref<2048x128xf32, #tpu.memory_space<hbm>>) dst(%dma_wait3A_338 : memref<128x128xf32, #tpu.memory_space<vmem>>)
    %add3A_345 = arith.constant 512 : i32
    %add3A_346 = arith.addi %multiple_of3A, %add3A_345 : i32
    %dma_start3A_347 = arith.constant 4 : i32
    %dma_start3A_348 = arith.constant 0 : i32
    %dma_start3A_349 = arith.constant 0 : i32
    %dma_start3A_350 = tpu.memref_slice %arg6[%dma_start3A_347, %dma_start3A_348, %dma_start3A_349] : memref<5x128x128xf32, #tpu.memory_space<vmem>> -> memref<1x128x128xf32, #tpu.memory_space<vmem>>
    %dma_start3A_351 = tpu.memref_squeeze %dma_start3A_350 : memref<1x128x128xf32, #tpu.memory_space<vmem>> -> memref<128x128xf32, #tpu.memory_space<vmem>>
    %dma_start3A_352 = arith.constant 0 : i32
    %dma_start3A_353 = tpu.memref_slice %arg4[%add3A_346, %add3A_11, %dma_start3A_352] : memref<10000x4x128xf32, #tpu.memory_space<hbm>> -> memref<128x1x128xf32, #tpu.memory_space<hbm>>
    %dma_start3A_354 = tpu.memref_squeeze %dma_start3A_353 : memref<128x1x128xf32, #tpu.memory_space<hbm>> -> memref<128x128xf32, #tpu.memory_space<hbm>>
    %dma_start3A_355 = arith.constant 0 : i32
    %dma_start3A_356 = tpu.memref_slice %arg4[%add3A_346, %add3A_11, %dma_start3A_355] : memref<10000x4x128xf32, #tpu.memory_space<hbm>> -> memref<128x1x128xf32, #tpu.memory_space<hbm>>
    %dma_start3A_357 = tpu.memref_squeeze %dma_start3A_356 : memref<128x1x128xf32, #tpu.memory_space<hbm>> -> memref<128x128xf32, #tpu.memory_space<hbm>>
    %dma_start3A_358 = arith.constant 0 : i32
    %dma_start3A_359 = arith.constant 0 : i32
    %dma_start3A_360 = tpu.memref_slice %arg6[%dma_start3A_347, %dma_start3A_358, %dma_start3A_359] : memref<5x128x128xf32, #tpu.memory_space<vmem>> -> memref<1x128x128xf32, #tpu.memory_space<vmem>>
    %dma_start3A_361 = tpu.memref_squeeze %dma_start3A_360 : memref<1x128x128xf32, #tpu.memory_space<vmem>> -> memref<128x128xf32, #tpu.memory_space<vmem>>
    tpu.enqueue_dma source(%dma_start3A_361 : memref<128x128xf32, #tpu.memory_space<vmem>>) target(%dma_start3A_357 : memref<128x128xf32, #tpu.memory_space<hbm>>) target_semaphore(%arg9 : memref<!tpu.dma_semaphore, #tpu.memory_space<semaphore_mem>>)
    %dma_wait3A_362 = arith.constant 0 : i32
    %dma_wait3A_363 = arith.constant 0 : i32
    %dma_wait3A_364 = arith.constant 0 : i32
    %dma_wait3A_365 = tpu.memref_slice %arg6[%dma_wait3A_362, %dma_wait3A_363, %dma_wait3A_364] : memref<5x128x128xf32, #tpu.memory_space<vmem>> -> memref<1x128x128xf32, #tpu.memory_space<vmem>>
    %dma_wait3A_366 = tpu.memref_squeeze %dma_wait3A_365 : memref<1x128x128xf32, #tpu.memory_space<vmem>> -> memref<128x128xf32, #tpu.memory_space<vmem>>
    %dma_wait3A_367 = arith.constant 0 : i32
    %dma_wait3A_368 = tpu.memref_slice %arg4[%add3A_194, %add3A_11, %dma_wait3A_367] : memref<10000x4x128xf32, #tpu.memory_space<hbm>> -> memref<128x1x128xf32, #tpu.memory_space<hbm>>
    %dma_wait3A_369 = tpu.memref_squeeze %dma_wait3A_368 : memref<128x1x128xf32, #tpu.memory_space<hbm>> -> memref<128x128xf32, #tpu.memory_space<hbm>>
    %dma_wait3A_370 = arith.constant 0 : i32
    %dma_wait3A_371 = tpu.memref_slice %arg4[%add3A_194, %add3A_11, %dma_wait3A_370] : memref<10000x4x128xf32, #tpu.memory_space<hbm>> -> memref<128x1x128xf32, #tpu.memory_space<hbm>>
    %dma_wait3A_372 = tpu.memref_squeeze %dma_wait3A_371 : memref<128x1x128xf32, #tpu.memory_space<hbm>> -> memref<128x128xf32, #tpu.memory_space<hbm>>
    %dma_wait3A_373 = arith.constant 0 : i32
    %dma_wait3A_374 = arith.constant 0 : i32
    %dma_wait3A_375 = tpu.memref_slice %arg6[%dma_wait3A_362, %dma_wait3A_373, %dma_wait3A_374] : memref<5x128x128xf32, #tpu.memory_space<vmem>> -> memref<1x128x128xf32, #tpu.memory_space<vmem>>
    %dma_wait3A_376 = tpu.memref_squeeze %dma_wait3A_375 : memref<1x128x128xf32, #tpu.memory_space<vmem>> -> memref<128x128xf32, #tpu.memory_space<vmem>>
    tpu.wait_dma2 semaphore(%arg9 : memref<!tpu.dma_semaphore, #tpu.memory_space<semaphore_mem>>) src(%dma_wait3A_376 : memref<128x128xf32, #tpu.memory_space<vmem>>) dst(%dma_wait3A_372 : memref<128x128xf32, #tpu.memory_space<hbm>>)
    %dma_wait3A_377 = arith.constant 1 : i32
    %dma_wait3A_378 = arith.constant 0 : i32
    %dma_wait3A_379 = arith.constant 0 : i32
    %dma_wait3A_380 = tpu.memref_slice %arg6[%dma_wait3A_377, %dma_wait3A_378, %dma_wait3A_379] : memref<5x128x128xf32, #tpu.memory_space<vmem>> -> memref<1x128x128xf32, #tpu.memory_space<vmem>>
    %dma_wait3A_381 = tpu.memref_squeeze %dma_wait3A_380 : memref<1x128x128xf32, #tpu.memory_space<vmem>> -> memref<128x128xf32, #tpu.memory_space<vmem>>
    %dma_wait3A_382 = arith.constant 0 : i32
    %dma_wait3A_383 = tpu.memref_slice %arg4[%add3A_235, %add3A_11, %dma_wait3A_382] : memref<10000x4x128xf32, #tpu.memory_space<hbm>> -> memref<128x1x128xf32, #tpu.memory_space<hbm>>
    %dma_wait3A_384 = tpu.memref_squeeze %dma_wait3A_383 : memref<128x1x128xf32, #tpu.memory_space<hbm>> -> memref<128x128xf32, #tpu.memory_space<hbm>>
    %dma_wait3A_385 = arith.constant 0 : i32
    %dma_wait3A_386 = tpu.memref_slice %arg4[%add3A_235, %add3A_11, %dma_wait3A_385] : memref<10000x4x128xf32, #tpu.memory_space<hbm>> -> memref<128x1x128xf32, #tpu.memory_space<hbm>>
    %dma_wait3A_387 = tpu.memref_squeeze %dma_wait3A_386 : memref<128x1x128xf32, #tpu.memory_space<hbm>> -> memref<128x128xf32, #tpu.memory_space<hbm>>
    %dma_wait3A_388 = arith.constant 0 : i32
    %dma_wait3A_389 = arith.constant 0 : i32
    %dma_wait3A_390 = tpu.memref_slice %arg6[%dma_wait3A_377, %dma_wait3A_388, %dma_wait3A_389] : memref<5x128x128xf32, #tpu.memory_space<vmem>> -> memref<1x128x128xf32, #tpu.memory_space<vmem>>
    %dma_wait3A_391 = tpu.memref_squeeze %dma_wait3A_390 : memref<1x128x128xf32, #tpu.memory_space<vmem>> -> memref<128x128xf32, #tpu.memory_space<vmem>>
    tpu.wait_dma2 semaphore(%arg9 : memref<!tpu.dma_semaphore, #tpu.memory_space<semaphore_mem>>) src(%dma_wait3A_391 : memref<128x128xf32, #tpu.memory_space<vmem>>) dst(%dma_wait3A_387 : memref<128x128xf32, #tpu.memory_space<hbm>>)
    %dma_wait3A_392 = arith.constant 2 : i32
    %dma_wait3A_393 = arith.constant 0 : i32
    %dma_wait3A_394 = arith.constant 0 : i32
    %dma_wait3A_395 = tpu.memref_slice %arg6[%dma_wait3A_392, %dma_wait3A_393, %dma_wait3A_394] : memref<5x128x128xf32, #tpu.memory_space<vmem>> -> memref<1x128x128xf32, #tpu.memory_space<vmem>>
    %dma_wait3A_396 = tpu.memref_squeeze %dma_wait3A_395 : memref<1x128x128xf32, #tpu.memory_space<vmem>> -> memref<128x128xf32, #tpu.memory_space<vmem>>
    %dma_wait3A_397 = arith.constant 0 : i32
    %dma_wait3A_398 = tpu.memref_slice %arg4[%add3A_276, %add3A_11, %dma_wait3A_397] : memref<10000x4x128xf32, #tpu.memory_space<hbm>> -> memref<128x1x128xf32, #tpu.memory_space<hbm>>
    %dma_wait3A_399 = tpu.memref_squeeze %dma_wait3A_398 : memref<128x1x128xf32, #tpu.memory_space<hbm>> -> memref<128x128xf32, #tpu.memory_space<hbm>>
    %dma_wait3A_400 = arith.constant 0 : i32
    %dma_wait3A_401 = tpu.memref_slice %arg4[%add3A_276, %add3A_11, %dma_wait3A_400] : memref<10000x4x128xf32, #tpu.memory_space<hbm>> -> memref<128x1x128xf32, #tpu.memory_space<hbm>>
    %dma_wait3A_402 = tpu.memref_squeeze %dma_wait3A_401 : memref<128x1x128xf32, #tpu.memory_space<hbm>> -> memref<128x128xf32, #tpu.memory_space<hbm>>
    %dma_wait3A_403 = arith.constant 0 : i32
    %dma_wait3A_404 = arith.constant 0 : i32
    %dma_wait3A_405 = tpu.memref_slice %arg6[%dma_wait3A_392, %dma_wait3A_403, %dma_wait3A_404] : memref<5x128x128xf32, #tpu.memory_space<vmem>> -> memref<1x128x128xf32, #tpu.memory_space<vmem>>
    %dma_wait3A_406 = tpu.memref_squeeze %dma_wait3A_405 : memref<1x128x128xf32, #tpu.memory_space<vmem>> -> memref<128x128xf32, #tpu.memory_space<vmem>>
    tpu.wait_dma2 semaphore(%arg9 : memref<!tpu.dma_semaphore, #tpu.memory_space<semaphore_mem>>) src(%dma_wait3A_406 : memref<128x128xf32, #tpu.memory_space<vmem>>) dst(%dma_wait3A_402 : memref<128x128xf32, #tpu.memory_space<hbm>>)
    %dma_wait3A_407 = arith.constant 3 : i32
    %dma_wait3A_408 = arith.constant 0 : i32
    %dma_wait3A_409 = arith.constant 0 : i32
    %dma_wait3A_410 = tpu.memref_slice %arg6[%dma_wait3A_407, %dma_wait3A_408, %dma_wait3A_409] : memref<5x128x128xf32, #tpu.memory_space<vmem>> -> memref<1x128x128xf32, #tpu.memory_space<vmem>>
    %dma_wait3A_411 = tpu.memref_squeeze %dma_wait3A_410 : memref<1x128x128xf32, #tpu.memory_space<vmem>> -> memref<128x128xf32, #tpu.memory_space<vmem>>
    %dma_wait3A_412 = arith.constant 0 : i32
    %dma_wait3A_413 = tpu.memref_slice %arg4[%add3A_317, %add3A_11, %dma_wait3A_412] : memref<10000x4x128xf32, #tpu.memory_space<hbm>> -> memref<128x1x128xf32, #tpu.memory_space<hbm>>
    %dma_wait3A_414 = tpu.memref_squeeze %dma_wait3A_413 : memref<128x1x128xf32, #tpu.memory_space<hbm>> -> memref<128x128xf32, #tpu.memory_space<hbm>>
    %dma_wait3A_415 = arith.constant 0 : i32
    %dma_wait3A_416 = tpu.memref_slice %arg4[%add3A_317, %add3A_11, %dma_wait3A_415] : memref<10000x4x128xf32, #tpu.memory_space<hbm>> -> memref<128x1x128xf32, #tpu.memory_space<hbm>>
    %dma_wait3A_417 = tpu.memref_squeeze %dma_wait3A_416 : memref<128x1x128xf32, #tpu.memory_space<hbm>> -> memref<128x128xf32, #tpu.memory_space<hbm>>
    %dma_wait3A_418 = arith.constant 0 : i32
    %dma_wait3A_419 = arith.constant 0 : i32
    %dma_wait3A_420 = tpu.memref_slice %arg6[%dma_wait3A_407, %dma_wait3A_418, %dma_wait3A_419] : memref<5x128x128xf32, #tpu.memory_space<vmem>> -> memref<1x128x128xf32, #tpu.memory_space<vmem>>
    %dma_wait3A_421 = tpu.memref_squeeze %dma_wait3A_420 : memref<1x128x128xf32, #tpu.memory_space<vmem>> -> memref<128x128xf32, #tpu.memory_space<vmem>>
    tpu.wait_dma2 semaphore(%arg9 : memref<!tpu.dma_semaphore, #tpu.memory_space<semaphore_mem>>) src(%dma_wait3A_421 : memref<128x128xf32, #tpu.memory_space<vmem>>) dst(%dma_wait3A_417 : memref<128x128xf32, #tpu.memory_space<hbm>>)
    %dma_wait3A_422 = arith.constant 4 : i32
    %dma_wait3A_423 = arith.constant 0 : i32
    %dma_wait3A_424 = arith.constant 0 : i32
    %dma_wait3A_425 = tpu.memref_slice %arg6[%dma_wait3A_422, %dma_wait3A_423, %dma_wait3A_424] : memref<5x128x128xf32, #tpu.memory_space<vmem>> -> memref<1x128x128xf32, #tpu.memory_space<vmem>>
    %dma_wait3A_426 = tpu.memref_squeeze %dma_wait3A_425 : memref<1x128x128xf32, #tpu.memory_space<vmem>> -> memref<128x128xf32, #tpu.memory_space<vmem>>
    %dma_wait3A_427 = arith.constant 0 : i32
    %dma_wait3A_428 = tpu.memref_slice %arg4[%add3A_346, %add3A_11, %dma_wait3A_427] : memref<10000x4x128xf32, #tpu.memory_space<hbm>> -> memref<128x1x128xf32, #tpu.memory_space<hbm>>
    %dma_wait3A_429 = tpu.memref_squeeze %dma_wait3A_428 : memref<128x1x128xf32, #tpu.memory_space<hbm>> -> memref<128x128xf32, #tpu.memory_space<hbm>>
    %dma_wait3A_430 = arith.constant 0 : i32
    %dma_wait3A_431 = tpu.memref_slice %arg4[%add3A_346, %add3A_11, %dma_wait3A_430] : memref<10000x4x128xf32, #tpu.memory_space<hbm>> -> memref<128x1x128xf32, #tpu.memory_space<hbm>>
    %dma_wait3A_432 = tpu.memref_squeeze %dma_wait3A_431 : memref<128x1x128xf32, #tpu.memory_space<hbm>> -> memref<128x128xf32, #tpu.memory_space<hbm>>
    %dma_wait3A_433 = arith.constant 0 : i32
    %dma_wait3A_434 = arith.constant 0 : i32
    %dma_wait3A_435 = tpu.memref_slice %arg6[%dma_wait3A_422, %dma_wait3A_433, %dma_wait3A_434] : memref<5x128x128xf32, #tpu.memory_space<vmem>> -> memref<1x128x128xf32, #tpu.memory_space<vmem>>
    %dma_wait3A_436 = tpu.memref_squeeze %dma_wait3A_435 : memref<1x128x128xf32, #tpu.memory_space<vmem>> -> memref<128x128xf32, #tpu.memory_space<vmem>>
    tpu.wait_dma2 semaphore(%arg9 : memref<!tpu.dma_semaphore, #tpu.memory_space<semaphore_mem>>) src(%dma_wait3A_436 : memref<128x128xf32, #tpu.memory_space<vmem>>) dst(%dma_wait3A_432 : memref<128x128xf32, #tpu.memory_space<hbm>>)
    return
  }
}

module attributes {stable_mosaic.version = 14 : i64} {
  func.func @_argmin_kernel(%arg0: i32, %arg1: i32, %arg2: memref<1x512x2xf32, #tpu.memory_space<vmem>>, %arg3: memref<1x1x2048xi32, #tpu.memory_space<vmem>>) attributes {dimension_semantics = [#tpu.dimension_semantics<arbitrary>, #tpu.dimension_semantics<arbitrary>], iteration_bounds = array<i64: 2, 5>, scalar_prefetch = 0 : i64, scratch_operands = 0 : i64, tpu.core_type = #tpu.core_type<tc>, window_params = [{transform_indices = @transform_0, window_bounds = array<i64: 1, 512, 2>}, {transform_indices = @transform_1, window_bounds = array<i64: 1, 1, 2048>}]} {
    %add3A = arith.constant 0 : i32
    %add3A_0 = arith.addi %add3A, %arg0 : i32
    %mul3A = arith.constant 2048 : i32
    %mul3A_1 = arith.muli %arg1, %mul3A : i32
    %iota3A = tpu.iota {dimensions = array<i32: 1>} : vector<1x2048xi32>
    %add3A_2 = vector.broadcast %mul3A_1 : i32 to vector<1x2048xi32>
    %add3A_3 = arith.addi %add3A_2, %iota3A : vector<1x2048xi32>
    %jit3A = arith.constant 100 : i32
    %div3A = vector.broadcast %jit3A : i32 to vector<1x2048xi32>
    %div3A_4 = arith.divsi %add3A_3, %div3A : vector<1x2048xi32>
    %sign3A = arith.constant 0 : i32
    %sign3A_5 = vector.broadcast %sign3A : i32 to vector<1x2048xi32>
    %sign3A_6 = arith.cmpi sgt, %add3A_3, %sign3A_5 : vector<1x2048xi32>
    %sign3A_7 = arith.extui %sign3A_6 : vector<1x2048xi1> to vector<1x2048xi32>
    %sign3A_8 = arith.constant 0 : i32
    %sign3A_9 = vector.broadcast %sign3A_8 : i32 to vector<1x2048xi32>
    %sign3A_10 = arith.cmpi slt, %add3A_3, %sign3A_9 : vector<1x2048xi32>
    %sign3A_11 = arith.extui %sign3A_10 : vector<1x2048xi1> to vector<1x2048xi32>
    %sign3A_12 = arith.subi %sign3A_7, %sign3A_11 : vector<1x2048xi32>
    %sign3A_13 = arith.constant 0 : i32
    %sign3A_14 = arith.cmpi sgt, %jit3A, %sign3A_13 : i32
    %sign3A_15 = arith.extui %sign3A_14 : i1 to i32
    %sign3A_16 = arith.constant 0 : i32
    %sign3A_17 = arith.cmpi slt, %jit3A, %sign3A_16 : i32
    %sign3A_18 = arith.extui %sign3A_17 : i1 to i32
    %sign3A_19 = arith.subi %sign3A_15, %sign3A_18 : i32
    %ne3A = vector.broadcast %sign3A_19 : i32 to vector<1x2048xi32>
    %ne3A_20 = arith.cmpi ne, %sign3A_12, %ne3A : vector<1x2048xi32>
    %rem3A = vector.broadcast %jit3A : i32 to vector<1x2048xi32>
    %rem3A_21 = arith.remsi %add3A_3, %rem3A : vector<1x2048xi32>
    %ne3A_22 = arith.constant 0 : i32
    %ne3A_23 = vector.broadcast %ne3A_22 : i32 to vector<1x2048xi32>
    %ne3A_24 = arith.cmpi ne, %rem3A_21, %ne3A_23 : vector<1x2048xi32>
    %and3A = arith.andi %ne3A_20, %ne3A_24 : vector<1x2048xi1>
    %sub3A = arith.constant 1 : i32
    %sub3A_25 = vector.broadcast %sub3A : i32 to vector<1x2048xi32>
    %sub3A_26 = arith.subi %div3A_4, %sub3A_25 : vector<1x2048xi32>
    %select_n3A = arith.select %and3A, %sub3A_26, %div3A_4 : vector<1x2048xi1>, vector<1x2048xi32>
    %convert_element_type3A = arith.sitofp %select_n3A : vector<1x2048xi32> to vector<1x2048xf32>
    %jit3A_27 = arith.constant 100 : i32
    %eq3A = arith.constant 0 : i32
    %eq3A_28 = arith.cmpi eq, %jit3A_27, %eq3A : i32
    %jit3A_29 = arith.constant 1 : i32
    %select_n3A_30 = arith.select %eq3A_28, %jit3A_29, %jit3A_27 : i32
    %rem3A_31 = vector.broadcast %select_n3A_30 : i32 to vector<1x2048xi32>
    %rem3A_32 = arith.remsi %add3A_3, %rem3A_31 : vector<1x2048xi32>
    %ne3A_33 = arith.constant 0 : i32
    %ne3A_34 = vector.broadcast %ne3A_33 : i32 to vector<1x2048xi32>
    %ne3A_35 = arith.cmpi ne, %rem3A_32, %ne3A_34 : vector<1x2048xi32>
    %lt3A = arith.constant 0 : i32
    %lt3A_36 = vector.broadcast %lt3A : i32 to vector<1x2048xi32>
    %lt3A_37 = arith.cmpi slt, %rem3A_32, %lt3A_36 : vector<1x2048xi32>
    %lt3A_38 = arith.constant 0 : i32
    %lt3A_39 = arith.cmpi slt, %select_n3A_30, %lt3A_38 : i32
    %ne3A_40 = vector.broadcast %lt3A_39 : i1 to vector<1x2048xi1>
    %ne3A_41 = vector.broadcast %ne3A_40 : vector<1x2048xi1> to vector<1x2048xi1>
    %ne3A_42 = arith.xori %lt3A_37, %ne3A_41 : vector<1x2048xi1>
    %and3A_43 = arith.andi %ne3A_42, %ne3A_35 : vector<1x2048xi1>
    %add3A_44 = vector.broadcast %select_n3A_30 : i32 to vector<1x2048xi32>
    %add3A_45 = arith.addi %rem3A_32, %add3A_44 : vector<1x2048xi32>
    %select_n3A_46 = arith.select %and3A_43, %add3A_45, %rem3A_32 : vector<1x2048xi1>, vector<1x2048xi32>
    %convert_element_type3A_47 = arith.sitofp %select_n3A_46 : vector<1x2048xi32> to vector<1x2048xf32>
    %get3A = arith.constant 0 : index
    %get3A_48 = arith.constant 0 : index
    %get3A_49 = arith.constant 0 : index
    %get3A_50 = vector.load %arg2[%get3A, %get3A_48, %get3A_49] : memref<1x512x2xf32, #tpu.memory_space<vmem>>, vector<1x512x1xf32>
    %get3A_51 = vector.shape_cast %get3A_50 : vector<1x512x1xf32> to vector<512x1xf32>
    %get3A_52 = arith.constant 0 : index
    %get3A_53 = arith.constant 0 : index
    %get3A_54 = arith.constant 1 : index
    %get3A_55 = vector.load %arg2[%get3A_52, %get3A_53, %get3A_54] : memref<1x512x2xf32, #tpu.memory_space<vmem>>, vector<1x512x1xf32>
    %get3A_56 = vector.shape_cast %get3A_55 : vector<1x512x1xf32> to vector<512x1xf32>
    %sub3A_57 = vector.broadcast %get3A_51 : vector<512x1xf32> to vector<512x2048xf32>
    %sub3A_58 = vector.broadcast %convert_element_type3A : vector<1x2048xf32> to vector<512x2048xf32>
    %sub3A_59 = arith.subf %sub3A_57, %sub3A_58 : vector<512x2048xf32>
    %sub3A_60 = vector.broadcast %get3A_56 : vector<512x1xf32> to vector<512x2048xf32>
    %sub3A_61 = vector.broadcast %convert_element_type3A_47 : vector<1x2048xf32> to vector<512x2048xf32>
    %sub3A_62 = arith.subf %sub3A_60, %sub3A_61 : vector<512x2048xf32>
    %mul3A_63 = arith.mulf %sub3A_59, %sub3A_59 : vector<512x2048xf32>
    %mul3A_64 = arith.mulf %sub3A_62, %sub3A_62 : vector<512x2048xf32>
    %add3A_65 = arith.addf %mul3A_63, %mul3A_64 : vector<512x2048xf32>
    %reduce_min3A = arith.constant dense<0x7F800000> : vector<2048xf32>
    %reduce_min3A_66 = vector.multi_reduction <minimumf>, %add3A_65, %reduce_min3A [0] : vector<512x2048xf32> to vector<2048xf32>
    %broadcast_in_dim3A = vector.shape_cast %reduce_min3A_66 : vector<2048xf32> to vector<1x2048xf32>
    %iota3A_67 = tpu.iota {dimensions = array<i32: 0>} : vector<512x2048xi32>
    %eq3A_68 = vector.broadcast %broadcast_in_dim3A : vector<1x2048xf32> to vector<512x2048xf32>
    %eq3A_69 = arith.cmpf oeq, %add3A_65, %eq3A_68 : vector<512x2048xf32>
    %jit3A_70 = arith.constant 512 : i32
    %broadcast_in_dim3A_71 = vector.broadcast %jit3A_70 : i32 to vector<512x2048xi32>
    %select_n3A_72 = arith.select %eq3A_69, %iota3A_67, %broadcast_in_dim3A_71 : vector<512x2048xi1>, vector<512x2048xi32>
    %reduce_min3A_73 = arith.constant dense<2147483647> : vector<2048xi32>
    %reduce_min3A_74 = vector.multi_reduction <minsi>, %select_n3A_72, %reduce_min3A_73 [0] : vector<512x2048xi32> to vector<2048xi32>
    %mul3A_75 = arith.constant 512 : i32
    %mul3A_76 = arith.muli %add3A_0, %mul3A_75 : i32
    %add3A_77 = vector.broadcast %mul3A_76 : i32 to vector<2048xi32>
    %add3A_78 = arith.addi %reduce_min3A_74, %add3A_77 : vector<2048xi32>
    %swap3A = arith.constant 0 : index
    %swap3A_79 = arith.constant 0 : index
    %swap3A_80 = arith.constant 0 : index
    %swap3A_81 = vector.load %arg3[%swap3A, %swap3A_79, %swap3A_80] : memref<1x1x2048xi32, #tpu.memory_space<vmem>>, vector<1x1x2048xi32>
    %swap3A_82 = vector.shape_cast %swap3A_81 : vector<1x1x2048xi32> to vector<2048xi32>
    %swap3A_83 = vector.shape_cast %add3A_78 : vector<2048xi32> to vector<1x1x2048xi32>
    tpu.vector_store %arg3[%swap3A, %swap3A_79, %swap3A_80], %swap3A_83 {strides = array<i32>} : memref<1x1x2048xi32, #tpu.memory_space<vmem>>, vector<1x1x2048xi32>,
    return
  }
  func.func @transform_0(%arg0: i32, %arg1: i32) -> (i32, i32, i32) {
    %c0_i32 = arith.constant 0 : i32
    %c0_i32_0 = arith.constant 0 : i32
    %c0_i32_1 = arith.constant 0 : i32
    return %arg0, %c0_i32, %c0_i32_0 : i32, i32, i32
  }
  func.func @transform_1(%arg0: i32, %arg1: i32) -> (i32, i32, i32) {
    %mul3A = arith.constant 5 : i32
    %mul3A_0 = arith.muli %arg0, %mul3A : i32
    %add3A = arith.addi %mul3A_0, %arg1 : i32
    %c0_i32 = arith.constant 0 : i32
    %c0_i32_1 = arith.constant 0 : i32
    %c0_i32_2 = arith.constant 0 : i32
    return %add3A, %c0_i32, %c0_i32_1 : i32, i32, i32
  }
}

module attributes {stable_mosaic.version = 14 : i64} {
  func.func @_argmin_kernel(%arg0: i32, %arg1: i32, %arg2: memref<1x512x2xf32, #tpu.memory_space<vmem>>, %arg3: memref<1x1x2048xi32, #tpu.memory_space<vmem>>) attributes {dimension_semantics = [#tpu.dimension_semantics<arbitrary>, #tpu.dimension_semantics<arbitrary>], iteration_bounds = array<i64: 2, 5>, scalar_prefetch = 0 : i64, scratch_operands = 0 : i64, tpu.core_type = #tpu.core_type<tc>, window_params = [{transform_indices = @transform_0, window_bounds = array<i64: 1, 512, 2>}, {transform_indices = @transform_1, window_bounds = array<i64: 1, 1, 2048>}]} {
    %add3A = arith.constant 2 : i32
    %add3A_0 = arith.addi %add3A, %arg0 : i32
    %mul3A = arith.constant 2048 : i32
    %mul3A_1 = arith.muli %arg1, %mul3A : i32
    %iota3A = tpu.iota {dimensions = array<i32: 1>} : vector<1x2048xi32>
    %add3A_2 = vector.broadcast %mul3A_1 : i32 to vector<1x2048xi32>
    %add3A_3 = arith.addi %add3A_2, %iota3A : vector<1x2048xi32>
    %jit3A = arith.constant 100 : i32
    %div3A = vector.broadcast %jit3A : i32 to vector<1x2048xi32>
    %div3A_4 = arith.divsi %add3A_3, %div3A : vector<1x2048xi32>
    %sign3A = arith.constant 0 : i32
    %sign3A_5 = vector.broadcast %sign3A : i32 to vector<1x2048xi32>
    %sign3A_6 = arith.cmpi sgt, %add3A_3, %sign3A_5 : vector<1x2048xi32>
    %sign3A_7 = arith.extui %sign3A_6 : vector<1x2048xi1> to vector<1x2048xi32>
    %sign3A_8 = arith.constant 0 : i32
    %sign3A_9 = vector.broadcast %sign3A_8 : i32 to vector<1x2048xi32>
    %sign3A_10 = arith.cmpi slt, %add3A_3, %sign3A_9 : vector<1x2048xi32>
    %sign3A_11 = arith.extui %sign3A_10 : vector<1x2048xi1> to vector<1x2048xi32>
    %sign3A_12 = arith.subi %sign3A_7, %sign3A_11 : vector<1x2048xi32>
    %sign3A_13 = arith.constant 0 : i32
    %sign3A_14 = arith.cmpi sgt, %jit3A, %sign3A_13 : i32
    %sign3A_15 = arith.extui %sign3A_14 : i1 to i32
    %sign3A_16 = arith.constant 0 : i32
    %sign3A_17 = arith.cmpi slt, %jit3A, %sign3A_16 : i32
    %sign3A_18 = arith.extui %sign3A_17 : i1 to i32
    %sign3A_19 = arith.subi %sign3A_15, %sign3A_18 : i32
    %ne3A = vector.broadcast %sign3A_19 : i32 to vector<1x2048xi32>
    %ne3A_20 = arith.cmpi ne, %sign3A_12, %ne3A : vector<1x2048xi32>
    %rem3A = vector.broadcast %jit3A : i32 to vector<1x2048xi32>
    %rem3A_21 = arith.remsi %add3A_3, %rem3A : vector<1x2048xi32>
    %ne3A_22 = arith.constant 0 : i32
    %ne3A_23 = vector.broadcast %ne3A_22 : i32 to vector<1x2048xi32>
    %ne3A_24 = arith.cmpi ne, %rem3A_21, %ne3A_23 : vector<1x2048xi32>
    %and3A = arith.andi %ne3A_20, %ne3A_24 : vector<1x2048xi1>
    %sub3A = arith.constant 1 : i32
    %sub3A_25 = vector.broadcast %sub3A : i32 to vector<1x2048xi32>
    %sub3A_26 = arith.subi %div3A_4, %sub3A_25 : vector<1x2048xi32>
    %select_n3A = arith.select %and3A, %sub3A_26, %div3A_4 : vector<1x2048xi1>, vector<1x2048xi32>
    %convert_element_type3A = arith.sitofp %select_n3A : vector<1x2048xi32> to vector<1x2048xf32>
    %jit3A_27 = arith.constant 100 : i32
    %eq3A = arith.constant 0 : i32
    %eq3A_28 = arith.cmpi eq, %jit3A_27, %eq3A : i32
    %jit3A_29 = arith.constant 1 : i32
    %select_n3A_30 = arith.select %eq3A_28, %jit3A_29, %jit3A_27 : i32
    %rem3A_31 = vector.broadcast %select_n3A_30 : i32 to vector<1x2048xi32>
    %rem3A_32 = arith.remsi %add3A_3, %rem3A_31 : vector<1x2048xi32>
    %ne3A_33 = arith.constant 0 : i32
    %ne3A_34 = vector.broadcast %ne3A_33 : i32 to vector<1x2048xi32>
    %ne3A_35 = arith.cmpi ne, %rem3A_32, %ne3A_34 : vector<1x2048xi32>
    %lt3A = arith.constant 0 : i32
    %lt3A_36 = vector.broadcast %lt3A : i32 to vector<1x2048xi32>
    %lt3A_37 = arith.cmpi slt, %rem3A_32, %lt3A_36 : vector<1x2048xi32>
    %lt3A_38 = arith.constant 0 : i32
    %lt3A_39 = arith.cmpi slt, %select_n3A_30, %lt3A_38 : i32
    %ne3A_40 = vector.broadcast %lt3A_39 : i1 to vector<1x2048xi1>
    %ne3A_41 = vector.broadcast %ne3A_40 : vector<1x2048xi1> to vector<1x2048xi1>
    %ne3A_42 = arith.xori %lt3A_37, %ne3A_41 : vector<1x2048xi1>
    %and3A_43 = arith.andi %ne3A_42, %ne3A_35 : vector<1x2048xi1>
    %add3A_44 = vector.broadcast %select_n3A_30 : i32 to vector<1x2048xi32>
    %add3A_45 = arith.addi %rem3A_32, %add3A_44 : vector<1x2048xi32>
    %select_n3A_46 = arith.select %and3A_43, %add3A_45, %rem3A_32 : vector<1x2048xi1>, vector<1x2048xi32>
    %convert_element_type3A_47 = arith.sitofp %select_n3A_46 : vector<1x2048xi32> to vector<1x2048xf32>
    %get3A = arith.constant 0 : index
    %get3A_48 = arith.constant 0 : index
    %get3A_49 = arith.constant 0 : index
    %get3A_50 = vector.load %arg2[%get3A, %get3A_48, %get3A_49] : memref<1x512x2xf32, #tpu.memory_space<vmem>>, vector<1x512x1xf32>
    %get3A_51 = vector.shape_cast %get3A_50 : vector<1x512x1xf32> to vector<512x1xf32>
    %get3A_52 = arith.constant 0 : index
    %get3A_53 = arith.constant 0 : index
    %get3A_54 = arith.constant 1 : index
    %get3A_55 = vector.load %arg2[%get3A_52, %get3A_53, %get3A_54] : memref<1x512x2xf32, #tpu.memory_space<vmem>>, vector<1x512x1xf32>
    %get3A_56 = vector.shape_cast %get3A_55 : vector<1x512x1xf32> to vector<512x1xf32>
    %sub3A_57 = vector.broadcast %get3A_51 : vector<512x1xf32> to vector<512x2048xf32>
    %sub3A_58 = vector.broadcast %convert_element_type3A : vector<1x2048xf32> to vector<512x2048xf32>
    %sub3A_59 = arith.subf %sub3A_57, %sub3A_58 : vector<512x2048xf32>
    %sub3A_60 = vector.broadcast %get3A_56 : vector<512x1xf32> to vector<512x2048xf32>
    %sub3A_61 = vector.broadcast %convert_element_type3A_47 : vector<1x2048xf32> to vector<512x2048xf32>
    %sub3A_62 = arith.subf %sub3A_60, %sub3A_61 : vector<512x2048xf32>
    %mul3A_63 = arith.mulf %sub3A_59, %sub3A_59 : vector<512x2048xf32>
    %mul3A_64 = arith.mulf %sub3A_62, %sub3A_62 : vector<512x2048xf32>
    %add3A_65 = arith.addf %mul3A_63, %mul3A_64 : vector<512x2048xf32>
    %reduce_min3A = arith.constant dense<0x7F800000> : vector<2048xf32>
    %reduce_min3A_66 = vector.multi_reduction <minimumf>, %add3A_65, %reduce_min3A [0] : vector<512x2048xf32> to vector<2048xf32>
    %broadcast_in_dim3A = vector.shape_cast %reduce_min3A_66 : vector<2048xf32> to vector<1x2048xf32>
    %iota3A_67 = tpu.iota {dimensions = array<i32: 0>} : vector<512x2048xi32>
    %eq3A_68 = vector.broadcast %broadcast_in_dim3A : vector<1x2048xf32> to vector<512x2048xf32>
    %eq3A_69 = arith.cmpf oeq, %add3A_65, %eq3A_68 : vector<512x2048xf32>
    %jit3A_70 = arith.constant 512 : i32
    %broadcast_in_dim3A_71 = vector.broadcast %jit3A_70 : i32 to vector<512x2048xi32>
    %select_n3A_72 = arith.select %eq3A_69, %iota3A_67, %broadcast_in_dim3A_71 : vector<512x2048xi1>, vector<512x2048xi32>
    %reduce_min3A_73 = arith.constant dense<2147483647> : vector<2048xi32>
    %reduce_min3A_74 = vector.multi_reduction <minsi>, %select_n3A_72, %reduce_min3A_73 [0] : vector<512x2048xi32> to vector<2048xi32>
    %mul3A_75 = arith.constant 512 : i32
    %mul3A_76 = arith.muli %add3A_0, %mul3A_75 : i32
    %add3A_77 = vector.broadcast %mul3A_76 : i32 to vector<2048xi32>
    %add3A_78 = arith.addi %reduce_min3A_74, %add3A_77 : vector<2048xi32>
    %swap3A = arith.constant 0 : index
    %swap3A_79 = arith.constant 0 : index
    %swap3A_80 = arith.constant 0 : index
    %swap3A_81 = vector.load %arg3[%swap3A, %swap3A_79, %swap3A_80] : memref<1x1x2048xi32, #tpu.memory_space<vmem>>, vector<1x1x2048xi32>
    %swap3A_82 = vector.shape_cast %swap3A_81 : vector<1x1x2048xi32> to vector<2048xi32>
    %swap3A_83 = vector.shape_cast %add3A_78 : vector<2048xi32> to vector<1x1x2048xi32>
    tpu.vector_store %arg3[%swap3A, %swap3A_79, %swap3A_80], %swap3A_83 {strides = array<i32>} : memref<1x1x2048xi32, #tpu.memory_space<vmem>>, vector<1x1x2048xi32>,
    return
  }
  func.func @transform_0(%arg0: i32, %arg1: i32) -> (i32, i32, i32) {
    %c0_i32 = arith.constant 0 : i32
    %c0_i32_0 = arith.constant 0 : i32
    %c0_i32_1 = arith.constant 0 : i32
    return %arg0, %c0_i32, %c0_i32_0 : i32, i32, i32
  }
  func.func @transform_1(%arg0: i32, %arg1: i32) -> (i32, i32, i32) {
    %mul3A = arith.constant 5 : i32
    %mul3A_0 = arith.muli %arg0, %mul3A : i32
    %add3A = arith.addi %mul3A_0, %arg1 : i32
    %c0_i32 = arith.constant 0 : i32
    %c0_i32_1 = arith.constant 0 : i32
    %c0_i32_2 = arith.constant 0 : i32
    return %add3A, %c0_i32, %c0_i32_1 : i32, i32, i32
  }
}

</mosaic_0001>

<sc_bundles>
// kernel: kernel.6.cloned.1.call-start
scs
__scs_entry_jumppad:
0x0: {  	(pc) =	sbr.rel $0x88, $3  }
0x1: {  	(tag) =	ssettag $0x0;
	lr =	simm.s32 $0x1  }
0x2: {  	[smem:$0x3F9F] =	sst lr;
	_ =	strace $0xD0000000  }
0x3: {  	_ = 	snop  }
0x4: {  	_ = 	snop  }
0x5: {  	_ = 	snop  }
0x6: {  	_ = 	snop  }
0x7: {  	_ = 	snop  }
__scs_overlays_trampoline_lowered:
0x8: {  	[smem:$0x3FAE] =	sst s0  }
0x9: {  	[smem:$0x3FAF] =	sst s1  }
0xa: {  	[smem:$0x3FB0] =	sst s2  }
0xb: {  	[smem:$0x3FB1] =	sst s3  }
0xc: {  	[smem:$0x3FB2] =	sst s4  }
0xd: {  	[smem:$0x3FB3] =	sst s5  }
0xe: {  	[smem:$0x3FB4] =	sst s6  }
0xf: {  	[smem:$0x3FB5] =	sst s7  }
0x10: {  	[smem:$0x3FB6] =	sst s8  }
0x11: {  	[smem:$0x3FB7] =	sst s9;
	s0 =	simm.s32 @!p0 $0x0  }
0x12: {  	s1 =	sld [smem:$0x3F9D];
	s0 =	simm.s32 @p0 $0x1  }
0x13: {  	[smem:$0x3FB8] =	sst s0;
	s0 =	simm.s32 @!p1 $0x0  }
0x14: {  	s2 =	sld [smem:$0x3F9C];
	s0 =	simm.s32 @p1 $0x1  }
0x15: {  	[smem:$0x3FB9] =	sst s0;
	s0 =	simm.s32 @!p2 $0x0  }
0x16: {  	s3 =	sld [smem:$0x3FDB];
	s0 =	simm.s32 @p2 $0x1  }
0x17: {  	s4 =	simm.s32 $0x1BF5;
	[smem:$0x3FBB] =	sst s0  }
0x18: {  	s0 =	sld [smem:$0x3F9E];
	_ =	swait.ge [sflag:s4], $0x0  }
0x19: {  	s7 =	sld [smem:$0x3F9F]  }
0x1a: {  	s8 =	sadd.s32 $0xFFFFE003, lr  }
0x1b: {  	s9 =	sadd.s32 $0xFFFFFEF7, lr;
	s5 =	simm.s32 $0xFFFFFFFF;
	p2 =	slt.u32 s8, $0xFFFFF086  }
0x1c: {  	p1 =	slt.u32 s9, $0xF7A;
	s5 =	simm.s32 @!p2 $0x0  }
0x1d: {  	s5 =	simm.s32 @p1 $0x1;
	p0 =	seq.s32 s7, s2  }
0x1e: {  	s7 =	smul.u32 @!p0 $0xF7A, s2;
	p2 =	seq.s32 @!p0 s5, $0x0  }
0x1f: {  	s9 =	smul.u32 $0xF7A, s1;
	s8 =	simm.s32 @!p0 $0x1BF5;
	p2 =	por !p2, p0  }
0x20: {  	[sflag:s8] =	ssyncset.s32 @!p0 $0xFFFFF086;
	s6 =	sadd.s32 @!p0 s3, s7;
	s7 =	simm.s32 @!p0 $0x108  }
0x21: {  	s3 =	sadd.s32 s3, s9;
	s6 =	sadd.s32 @!p0 $0x88, s6;
	s7 =	simm.s32 @p2 $0x1082  }
0x22: {  	[simem:s7], [sflag:s8] =	dma.local @!p0 [hbm:s6], $0xF7A  }
0x23: {  	s9 =	sor.u32 $0xD0000000, s2;
	s6 =	simm.s32 $0x108;
	_ =	swait.ge @!p0 [sflag:s8], $0x0  }
0x24: {  	s3 =	sadd.s32 $0x88, s3;
	s6 =	simm.s32 @!p1 $0x1082;
	[sflag:s4] =	ssyncset.s32 $0xFFFFF086  }
0x25: {  	[simem:s6], [sflag:s4] =	dma.local [hbm:s3], $0xF7A  }
0x26: {  	[smem:$0x3F9F] =	sst s1;
	(tag) =	ssettag s2;
	_ =	strace s9  }
0x27: {  	s1 =	sld [smem:$0x3FAF]  }
0x28: {  	s2 =	sld [smem:$0x3FB0]  }
0x29: {  	s4 =	sld [smem:$0x3FB2]  }
0x2a: {  	p0 =	seq.s32 s5, $0x0;
	s5 =	sld [smem:$0x3FB3]  }
0x2b: {  	s6 =	sld [smem:$0x3FB4]  }
0x2c: {  	s7 =	sld [smem:$0x3FB5]  }
0x2d: {  	s3 =	simm.s32 $0x108;
	s8 =	sld [smem:$0x3FB6]  }
0x2e: {  	s3 =	simm.s32 @!p0 $0x1082;
	s9 =	sld [smem:$0x3FB7]  }
0x2f: {  	lr =	sadd.s32 s0, s3;
	s0 =	sld [smem:$0x3FAE]  }
0x30: {  	s3 =	sld [smem:$0x3FB1]  }
0x31: {  	[smem:$0x3FBA] =	sst s10  }
0x32: {  	s10 =	sld [smem:$0x3FB8];
	_ =	sdelay $0x3  }
0x33: {  	p0 =	seq.s32 s10, $0x1;
	s10 =	sld [smem:$0x3FBA];
	_ =	sdelay $0x3  }
0x34: {  	[smem:$0x3FBA] =	sst s10  }
0x35: {  	s10 =	sld [smem:$0x3FB9];
	_ =	sdelay $0x3  }
0x36: {  	p1 =	seq.s32 s10, $0x1;
	s10 =	sld [smem:$0x3FBA];
	_ =	sdelay $0x3  }
0x37: {  	[smem:$0x3FBA] =	sst s10  }
0x38: {  	s10 =	sld [smem:$0x3FBB]  }
0x39: {  	_ = 	snop;
	(pc) =	sbr.ind lr, $3  }
0x3a: {  	_ = 	snop  }
0x3b: {  	_ = 	snop  }
0x3c: {  	p2 =	seq.s32 s10, $0x1;
	s10 =	sld [smem:$0x3FBA]  }
0x3d: {  	_ =	shalt  }
0x3e: {  	_ =	shalt  }
0x3f: {  	_ =	shalt  }
0x40: {  	_ =	shalt  }
0x41: {  	_ =	shalt  }
0x42: {  	_ =	shalt  }
0x43: {  	_ =	shalt  }
0x44: {  	_ =	shalt  }
0x45: {  	_ =	shalt  }
0x46: {  	_ =	shalt  }
0x47: {  	_ =	shalt  }
0x48: {  	_ =	shalt  }
0x49: {  	_ =	shalt  }
0x4a: {  	_ =	shalt  }
0x4b: {  	_ =	shalt  }
0x4c: {  	_ =	shalt  }
0x4d: {  	_ =	shalt  }
0x4e: {  	_ =	shalt  }
0x4f: {  	_ =	shalt  }
0x50: {  	_ =	shalt  }
0x51: {  	_ =	shalt  }
0x52: {  	_ =	shalt  }
0x53: {  	_ =	shalt  }
0x54: {  	_ =	shalt  }
0x55: {  	_ =	shalt  }
0x56: {  	_ =	shalt  }
0x57: {  	_ =	shalt  }
0x58: {  	_ =	shalt  }
0x59: {  	_ =	shalt  }
0x5a: {  	_ =	shalt  }
0x5b: {  	_ =	shalt  }
0x5c: {  	_ =	shalt  }
0x5d: {  	_ =	shalt  }
0x5e: {  	_ =	shalt  }
0x5f: {  	_ =	shalt  }
0x60: {  	_ =	shalt  }
0x61: {  	_ =	shalt  }
0x62: {  	_ =	shalt  }
0x63: {  	_ =	shalt  }
0x64: {  	_ =	shalt  }
0x65: {  	_ =	shalt  }
0x66: {  	_ =	shalt  }
0x67: {  	_ =	shalt  }
0x68: {  	_ =	shalt  }
0x69: {  	_ =	shalt  }
0x6a: {  	_ =	shalt  }
0x6b: {  	_ =	shalt  }
0x6c: {  	_ =	shalt  }
0x6d: {  	_ =	shalt  }
0x6e: {  	_ =	shalt  }
0x6f: {  	_ =	shalt  }
0x70: {  	_ =	shalt  }
0x71: {  	_ =	shalt  }
0x72: {  	_ =	shalt  }
0x73: {  	_ =	shalt  }
0x74: {  	_ =	shalt  }
0x75: {  	_ =	shalt  }
0x76: {  	_ =	shalt  }
0x77: {  	_ =	shalt  }
0x78: {  	_ =	shalt  }
0x79: {  	_ =	shalt  }
0x7a: {  	_ =	shalt  }
0x7b: {  	_ =	shalt  }
0x7c: {  	_ =	shalt  }
0x7d: {  	_ =	shalt  }
0x7e: {  	_ =	shalt  }
0x7f: {  	_ =	shalt  }
0x80: {  	_ =	shalt  }
0x81: {  	_ =	shalt  }
0x82: {  	_ =	shalt  }
0x83: {  	_ =	shalt  }
0x84: {  	_ =	shalt  }
0x85: {  	_ =	shalt  }
0x86: {  	_ =	shalt  }
0x87: {  	_ =	shalt  }
.Lfunc_end0:
.L_simem_size_0:
called_computation_lowered:
.L_overlay_start_0:
0x88: {  	s2 =	sld [smem:$0x3FD9]  }
0x89: {  	s3 =	sld [smem:$0x3FFE];
	_ =	sdelay $0x1  }
0x8a: {  	s1 =	srdreg.scid  }
0x8b: {  	s0 =	sand.u32 $0x1, s1  }
0x8c: {  	s17 =	sshll.u32 s0, $0xA;
	s2 =	sadd.s32 s3, s2  }
0x8d: {  	s2 =	sadd.s32 s2, s17  }
0x8e: {  	[smem:$0x3FC6] =	sst s2  }
0x8f: {  	_ = 	snop  }
0x90: {  	s2 =	sld [smem:$0x3FD0];
	(tm) =	ssettm $0x1  }
0x91: {  	s18 =	sld [smem:$0x3FFB];
	_ =	sdelay $0x3  }
0x92: {  	_ =	strace s18  }
0x93: {  	s3 =	sld [smem:$0x3FFC];
	_ =	sdelay $0x3  }
0x94: {  	_ =	strace s3  }
0x95: {  	s3 =	sld [smem:$0x3FFD];
	_ =	sdelay $0x3  }
0x96: {  	_ =	strace s3  }
0x97: {  	_ =	strace $0x8FFFFFFF  }
0x98: {  	s19 =	sld [smem:$0x3FDB];
	_ =	sdelay $0x1  }
0x99: {  	s4 =	simm.s32 $_scs_section_size  }
0x9a: {  	s5 =	simm.s32 $_size__tile_overlayer_lowered;
	s6 =	simm.s32 $_tile_overlayer_lowered  }
0x9b: {  	s22 =	simm.s32 $0x1BFF;
	s21 =	sshll.u32 s6, $0x1;
	s3 =	sadd.s32 s4, s19  }
0x9c: {  	s7 =	simm.s32 $0x0;
	s20 =	sshll.u32 s5, $0x1;
	s5 =	sadd.s32 s21, s3  }
0x9d: {  	[timem:s7], [sflag:s22] =	dma.local [hbm:s5], s20  }
0x9e: {  	_ =	swait.ge [sflag:s22], s20  }
0x9f: {  	s4 =	ssub.s32 $0x0, s20;
	[sflag:s22] =	ssyncset.done $0x0  }
0xa0: {  	[sflag:s22] =	ssyncadd.s32 s4;
	_ =	sdelay $0x1  }
0xa1: {  	s23 =	simm.s32 $0x1B8B  }
0xa2: {  	_ =	swait.ge [sflag:s23], $0x1  }
0xa3: {  	[sflag:s23] =	ssyncset.done $0x0  }
0xa4: {  	s25 =	simm.s32 $0x1B8E;
	s24 =	sld [smem:$0x3FFE];
	[sflag:s23] =	ssyncadd.s32 $0xFFFFFFFF  }
0xa5: {  	s26 =	simm.s32 $execute0_lowered;
	[smem:$0x3FD2] =	sst s25  }
0xa6: {  	s5 =	sshll.u32 s26, $0x1;
	_ =	strace $0x80000046;
	[dreg:$0x1] =	wrdreg $0xFFFFFFFF  }
0xa7: {  	s28 =	simm.s32 $_size_execute0_lowered;
	s3 =	sadd.s32 s3, s5;
	[dreg:$0x0] =	wrdreg $0x0  }
0xa8: {  	s5 =	sshll.u32 s28, $0x1;
	[dreg:$0x2] =	wrdreg s3  }
0xa9: {  	[dreg:$0x3] =	wrdreg s5  }
0xaa: {  	[dreg:$0x4] =	wrdreg $0xC0  }
0xab: {  	_ =	task [dreg:s7], $0x5FFFF  }
0xac: {  	[dreg:$0x1] =	wrdreg $0xFFFFFFFF  }
0xad: {  	[dreg:$0x0] =	wrdreg $0x60  }
0xae: {  	[dreg:$0x2] =	wrdreg s24  }
0xaf: {  	[dreg:$0x3] =	wrdreg s2  }
0xb0: {  	[dreg:$0x4] =	wrdreg $0x9  }
0xb1: {  	_ =	task.clear_ibuf [dreg:s7], $0x5FFFF;
	_ =	strace $0x90000046  }
0xb2: {  	s29 =	simm.s32 $0x9;
	_ =	strace $0x80000048  }
0xb3: {  	_ =	swait.ge [sflag:s29], $0x1  }
0xb4: {  	[sflag:s29] =	ssyncadd.s32 $0xFFFFFFFF  }
0xb5: {  	_ =	strace $0x90000048  }
0xb6: {  	_ =	sfence  }
0xb7: {  	s30 =	sld [smem:$0x0];
	_ =	sdelay $0x2  }
0xb8: {  	s31 =	sshll.u32 s1, $0xD;
	s1 =	sshrl.u32 s1, $0x2  }
0xb9: {  	s3 =	sand.u32 $0x4000, s31;
	s1 =	sadd.s32 s1, s30  }
0xba: {  	s0 =	sor.u32 s3, s0;
	s1 =	sshll.u32 s1, $0x11  }
0xbb: {  	s0 =	sor.u32 s1, s0  }
0xbc: {  	s0 =	sadd.s32 $0x8F2B, s0  }
0xbd: {  	[sflag:s0] =	ssyncadd.remote.s32 $0x1  }
0xbe: {  	_ =	sfence.sel $0xFFFF  }
0xbf: {  	[dreg:$0x0] =	wrdreg $0xFFFFFFFF;
	(pc) =	sbr.abs _section_cstart, $3  }
0xc0: {  	[dreg:$0x1] =	wrdreg $0xFFFFFFFF  }
0xc1: {  	_ =	task.clear_ibuf [dreg:s7], $0x2FFFF;
	_ =	strace $0x9FFFFFFF  }
0xc2: {  	(tm) =	ssettm $0x7FFFFFFF  }
0xc3: {  	_ =	shalt  }
tec
execute0_lowered:
.L_overlay_start_1:
0x0: {  	(tag) =	ssettag $0x1  }
0x1: {  	s1 =	srdreg.scid  }
0x2: {  	s0 =	stileid.u32;
	s26 =	sand.u32 $0x1, s1  }
0x3: {  	s1 =	sor.u32 s26, s0  }
0x4: {  	p0 =	seq.s32 s26, $0x1;
	p1 =	seq.s32 s1, $0x0  }
0x5: {  	p0 =	por !p1, !p0  }
0x6: {  	s1 =	simm.s32 $0x1;
	p0 =	por !p0, !p0  }
0x7: {  	s1 =	simm.s32 @!p0 $0x0  }
0x8: {  	s1 =	ssub.s32 s0, s1  }
0x9: {  	s15 =	smul.u32 $0x280, s1  }
0xa: {  	s13 =	rddreg [dreg:$0x0];
	s3 =	smul.u32 $0x2800, s26;
	p0 =	seq.s32 s1, $0xF  }
0xb: {  	s24 =	rddreg [dreg:$0x1];
	s2 =	simm.s32 $0x0;
	s15 =	simm.s32 @p0 $0x2490  }
0xc: {  	[smem:$0x7FF] =	sst s2;
	s11 =	sadd.s32 $0xE00, s13;
	s7 =	sadd.s32 s3, s15  }
0xd: {  	s1 =	rddreg [dreg:$0x2];
	_ =	strace $0x80000047;
	s3 =	sadd.s32 $0x80, s7  }
0xe: {  	s4 =	sshrl.u32 s7, $0x3;
	s6 =	sadd.s32 $0x100, s7;
	s8 =	sadd.s32 $0x180, s7  }
0xf: {  	s9 =	sadd.s32 $0x200, s7;
	s5 =	sshrl.u32 s3, $0x3;
	s3 =	sadd.s32 s11, s4  }
0x10: {  	[tilespmem:s2], [sflag:$0x1] =	stream.linear.gather [hbm4b:s3+s2], $0x80, $0x38;
	[tilespmem:$0x14400] =	vst v63  }
0x11: {  	s31 =	sshrl.u32 s6, $0x3;
	s6 =	simm.s32 $0x80;
	s4 =	sadd.s32 s11, s5  }
0x12: {  	[tilespmem:s6], [sflag:$0x1] =	stream.linear.gather [hbm4b:s4+s2], $0x80, $0x38;
	[tilespmem:$0x14400] =	vst v63  }
0x13: {  	s7 =	simm.s32 $0x100;
	s8 =	sshrl.u32 s8, $0x3;
	s5 =	sadd.s32 s11, s31  }
0x14: {  	[tilespmem:s7], [sflag:$0x1] =	stream.linear.gather [hbm4b:s5+s2], $0x80, $0x38;
	[tilespmem:$0x14400] =	vst v63  }
0x15: {  	s12 =	sshrl.u32 s9, $0x3;
	s9 =	simm.s32 $0x180;
	s8 =	sadd.s32 s11, s8  }
0x16: {  	[tilespmem:s9], [sflag:$0x1] =	stream.linear.gather [hbm4b:s8+s2], $0x80, $0x38;
	[tilespmem:$0x14400] =	vst v63  }
0x17: {  	s10 =	simm.s32 $0x1;
	s11 =	sadd.s32 s11, s12;
	s12 =	simm.s32 $0x200  }
0x18: {  	[tilespmem:s12], [sflag:$0x1] =	stream.linear.gather [hbm4b:s11+s2], $0x80, $0x38;
	[tilespmem:$0x14400] =	vst v63  }
0x19: {  	_ =	swait.ge [sflag:s10], $0x80  }
0x1a: {  	[sflag:s10] =	ssyncset.done $0x0  }
0x1b: {  	[sflag:s10] =	ssyncadd.s32 $0xFFFFFF80  }
0x1c: {  	_ =	swait.ge [sflag:s10], $0x80  }
0x1d: {  	[sflag:s10] =	ssyncset.done $0x0  }
0x1e: {  	[sflag:s10] =	ssyncadd.s32 $0xFFFFFF80  }
0x1f: {  	_ =	swait.ge [sflag:s10], $0x80  }
0x20: {  	[sflag:s10] =	ssyncset.done $0x0  }
0x21: {  	[sflag:s10] =	ssyncadd.s32 $0xFFFFFF80  }
0x22: {  	_ =	swait.ge [sflag:s10], $0x80  }
0x23: {  	[sflag:s10] =	ssyncset.done $0x0  }
0x24: {  	[sflag:s10] =	ssyncadd.s32 $0xFFFFFF80  }
0x25: {  	_ =	swait.ge [sflag:s10], $0x80  }
0x26: {  	s14 =	simm.s32 $0x400;
	[sflag:s10] =	ssyncset.done $0x0  }
0x27: {  	s16 =	simm.s32 $0x2;
	s13 =	sadd.s32 $0x1800, s13;
	[sflag:s10] =	ssyncadd.s32 $0xFFFFFF80  }
0x28: {  	[tilespmem:s14], [sflag:$0x2] =	stream.indirect.gather [hbm4b:s13+s6], $0x80, s2, s6, $0xb8;
	[tilespmem:$0x14400] =	vst v63  }
0x29: {  	s17 =	sshll.u32 s26, $0x7;
	s18 =	sshll.u32 s15, $0x9;
	s15 =	simm.s32 $0x4400  }
0x2a: {  	[tilespmem:s15], [sflag:$0x2] =	stream.indirect.gather [hbm4b:s13+s6], $0x80, s6, s6, $0xb8;
	[tilespmem:$0x14400] =	vst v63  }
0x2b: {  	s25 =	sor.u32 s17, s18;
	_ =	swait.ge [sflag:s16], $0x4000  }
0x2c: {  	s17 =	sshrl.u32 s25, $0x3;
	[sflag:s16] =	ssyncset.done $0x0  }
0x2d: {  	s17 =	sadd.s32 s24, s17;
	[sflag:s16] =	ssyncadd.s32 $0xFFFFC000  }
0x2e: {  	[hbm4b:s17+s6] =	stream.strided.scatter [tilespmem:s14], [sflag:$0x3], $0x4000, s12, s6, $0x38;
	[tilespmem:$0x14400] =	vst v63  }
0x2f: {  	s18 =	simm.s32 $0x8400  }
0x30: {  	[tilespmem:s18], [sflag:$0x2] =	stream.indirect.gather [hbm4b:s13+s6], $0x80, s7, s6, $0xb8;
	[tilespmem:$0x14400] =	vst v63  }
0x31: {  	s19 =	sadd.s32 $0x10000, s25;
	_ =	swait.ge [sflag:s16], $0x4000  }
0x32: {  	s19 =	sshrl.u32 s19, $0x3;
	[sflag:s16] =	ssyncset.done $0x0  }
0x33: {  	s19 =	sadd.s32 s24, s19;
	[sflag:s16] =	ssyncadd.s32 $0xFFFFC000  }
0x34: {  	[hbm4b:s19+s6] =	stream.strided.scatter [tilespmem:s15], [sflag:$0x3], $0x4000, s12, s6, $0x38;
	[tilespmem:$0x14400] =	vst v63  }
0x35: {  	s20 =	simm.s32 $0xC400  }
0x36: {  	[tilespmem:s20], [sflag:$0x2] =	stream.indirect.gather [hbm4b:s13+s6], $0x80, s9, s6, $0xb8;
	[tilespmem:$0x14400] =	vst v63  }
0x37: {  	s21 =	sadd.s32 $0x20000, s25;
	_ =	swait.ge [sflag:s16], $0x4000  }
0x38: {  	s21 =	sshrl.u32 s21, $0x3;
	[sflag:s16] =	ssyncset.done $0x0  }
0x39: {  	s21 =	sadd.s32 s24, s21;
	[sflag:s16] =	ssyncadd.s32 $0xFFFFC000  }
0x3a: {  	[hbm4b:s21+s6] =	stream.strided.scatter [tilespmem:s18], [sflag:$0x3], $0x4000, s12, s6, $0x38;
	[tilespmem:$0x14400] =	vst v63  }
0x3b: {  	s22 =	simm.s32 $0x10400  }
0x3c: {  	[tilespmem:s22], [sflag:$0x2] =	stream.indirect.gather [hbm4b:s13+s6], $0x80, s12, s6, $0xb8;
	[tilespmem:$0x14400] =	vst v63  }
0x3d: {  	s23 =	sadd.s32 $0x30000, s25;
	_ =	swait.ge [sflag:s16], $0x4000  }
0x3e: {  	s23 =	sshrl.u32 s23, $0x3;
	[sflag:s16] =	ssyncset.done $0x0  }
0x3f: {  	s23 =	sadd.s32 s24, s23;
	[sflag:s16] =	ssyncadd.s32 $0xFFFFC000  }
0x40: {  	[hbm4b:s23+s6] =	stream.strided.scatter [tilespmem:s20], [sflag:$0x3], $0x4000, s12, s6, $0x38;
	[tilespmem:$0x14400] =	vst v63  }
0x41: {  	s25 =	sadd.s32 $0x40000, s25;
	_ =	swait.ge [sflag:s16], $0x4000  }
0x42: {  	s25 =	sshrl.u32 s25, $0x3;
	[sflag:s16] =	ssyncset.done $0x0  }
0x43: {  	s24 =	sadd.s32 s24, s25;
	s25 =	simm.s32 $0x3;
	[sflag:s16] =	ssyncadd.s32 $0xFFFFC000  }
0x44: {  	[hbm4b:s24+s6] =	stream.strided.scatter [tilespmem:s22], [sflag:$0x3], $0x4000, s12, s6, $0x38;
	[tilespmem:$0x14400] =	vst v63  }
0x45: {  	_ =	swait.ge [sflag:s25], $0x4000  }
0x46: {  	[sflag:s25] =	ssyncset.done $0x0  }
0x47: {  	[sflag:s25] =	ssyncadd.s32 $0xFFFFC000  }
0x48: {  	_ =	swait.ge [sflag:s25], $0x4000  }
0x49: {  	s26 =	ssub.s32 $0x2, s26;
	[sflag:s25] =	ssyncset.done $0x0  }
0x4a: {  	s28 =	sshrl.u32 s26, $0x1;
	[sflag:s25] =	ssyncadd.s32 $0xFFFFC000  }
0x4b: {  	s26 =	ssub.s32 s26, s28;
	_ =	swait.ge [sflag:s25], $0x4000  }
0x4c: {  	s26 =	smax.u32 s26, $0x1;
	[sflag:s25] =	ssyncset.done $0x0  }
0x4d: {  	p0 =	sne.s32 s26, $0x1;
	[sflag:s25] =	ssyncadd.s32 $0xFFFFC000  }
.Ltmp0:
0x4e: {  	_ =	swait.ge [sflag:s25], $0x4000;
	(pc) =	sbr.rel @!p0 .LBB2_2-.Ltmp0, $4  }
0x4f: {  	[sflag:s25] =	ssyncset.done $0x0  }
0x50: {  	[sflag:s25] =	ssyncadd.s32 $0xFFFFC000  }
0x51: {  	_ =	swait.ge [sflag:s25], $0x4000  }
0x52: {  	s26 =	sadd.s32 $0xFFFFFFFF, s26;
	[sflag:s25] =	ssyncset.done $0x0  }
.LBB2_1:
0x53: {  	p0 =	sne.s32 s26, $0x1;
	s26 =	sadd.s32 $0xFFFFFFFF, s26;
	[sflag:s25] =	ssyncadd.s32 $0xFFFFC000  }
0x54: {  	[tilespmem:s2], [sflag:$0x1] =	stream.linear.gather [hbm4b:s3+s2], $0x80, $0x38;
	[tilespmem:$0x14400] =	vst v63  }
0x55: {  	_ = 	snop  }
0x56: {  	[tilespmem:s6], [sflag:$0x1] =	stream.linear.gather [hbm4b:s4+s2], $0x80, $0x38;
	[tilespmem:$0x14400] =	vst v63  }
0x57: {  	_ = 	snop  }
0x58: {  	[tilespmem:s7], [sflag:$0x1] =	stream.linear.gather [hbm4b:s5+s2], $0x80, $0x38;
	[tilespmem:$0x14400] =	vst v63  }
0x59: {  	_ = 	snop  }
0x5a: {  	[tilespmem:s9], [sflag:$0x1] =	stream.linear.gather [hbm4b:s8+s2], $0x80, $0x38;
	[tilespmem:$0x14400] =	vst v63  }
0x5b: {  	_ = 	snop  }
0x5c: {  	[tilespmem:s12], [sflag:$0x1] =	stream.linear.gather [hbm4b:s11+s2], $0x80, $0x38;
	[tilespmem:$0x14400] =	vst v63  }
0x5d: {  	_ =	swait.ge [sflag:s10], $0x80  }
0x5e: {  	[sflag:s10] =	ssyncset.done $0x0  }
0x5f: {  	[sflag:s10] =	ssyncadd.s32 $0xFFFFFF80  }
0x60: {  	_ =	swait.ge [sflag:s10], $0x80  }
0x61: {  	[sflag:s10] =	ssyncset.done $0x0  }
0x62: {  	[sflag:s10] =	ssyncadd.s32 $0xFFFFFF80  }
0x63: {  	_ =	swait.ge [sflag:s10], $0x80  }
0x64: {  	[sflag:s10] =	ssyncset.done $0x0  }
0x65: {  	[sflag:s10] =	ssyncadd.s32 $0xFFFFFF80  }
0x66: {  	_ =	swait.ge [sflag:s10], $0x80  }
0x67: {  	[sflag:s10] =	ssyncset.done $0x0  }
0x68: {  	[sflag:s10] =	ssyncadd.s32 $0xFFFFFF80  }
0x69: {  	_ =	swait.ge [sflag:s10], $0x80  }
0x6a: {  	[sflag:s10] =	ssyncset.done $0x0  }
0x6b: {  	[sflag:s10] =	ssyncadd.s32 $0xFFFFFF80  }
0x6c: {  	[tilespmem:s14], [sflag:$0x2] =	stream.indirect.gather [hbm4b:s13+s6], $0x80, s2, s6, $0xb8;
	[tilespmem:$0x14400] =	vst v63  }
0x6d: {  	_ = 	snop  }
0x6e: {  	[tilespmem:s15], [sflag:$0x2] =	stream.indirect.gather [hbm4b:s13+s6], $0x80, s6, s6, $0xb8;
	[tilespmem:$0x14400] =	vst v63  }
0x6f: {  	_ =	swait.ge [sflag:s16], $0x4000  }
0x70: {  	[sflag:s16] =	ssyncset.done $0x0  }
0x71: {  	[sflag:s16] =	ssyncadd.s32 $0xFFFFC000  }
0x72: {  	[hbm4b:s17+s6] =	stream.strided.scatter [tilespmem:s14], [sflag:$0x3], $0x4000, s12, s6, $0x38;
	[tilespmem:$0x14400] =	vst v63  }
0x73: {  	_ = 	snop  }
0x74: {  	[tilespmem:s18], [sflag:$0x2] =	stream.indirect.gather [hbm4b:s13+s6], $0x80, s7, s6, $0xb8;
	[tilespmem:$0x14400] =	vst v63  }
0x75: {  	_ =	swait.ge [sflag:s16], $0x4000  }
0x76: {  	[sflag:s16] =	ssyncset.done $0x0  }
0x77: {  	[sflag:s16] =	ssyncadd.s32 $0xFFFFC000  }
0x78: {  	[hbm4b:s19+s6] =	stream.strided.scatter [tilespmem:s15], [sflag:$0x3], $0x4000, s12, s6, $0x38;
	[tilespmem:$0x14400] =	vst v63  }
0x79: {  	_ = 	snop  }
0x7a: {  	[tilespmem:s20], [sflag:$0x2] =	stream.indirect.gather [hbm4b:s13+s6], $0x80, s9, s6, $0xb8;
	[tilespmem:$0x14400] =	vst v63  }
0x7b: {  	_ =	swait.ge [sflag:s16], $0x4000  }
0x7c: {  	[sflag:s16] =	ssyncset.done $0x0  }
0x7d: {  	[sflag:s16] =	ssyncadd.s32 $0xFFFFC000  }
0x7e: {  	[hbm4b:s21+s6] =	stream.strided.scatter [tilespmem:s18], [sflag:$0x3], $0x4000, s12, s6, $0x38;
	[tilespmem:$0x14400] =	vst v63  }
0x7f: {  	_ = 	snop  }
0x80: {  	[tilespmem:s22], [sflag:$0x2] =	stream.indirect.gather [hbm4b:s13+s6], $0x80, s12, s6, $0xb8;
	[tilespmem:$0x14400] =	vst v63  }
0x81: {  	_ =	swait.ge [sflag:s16], $0x4000  }
0x82: {  	[sflag:s16] =	ssyncset.done $0x0  }
0x83: {  	[sflag:s16] =	ssyncadd.s32 $0xFFFFC000  }
0x84: {  	[hbm4b:s23+s6] =	stream.strided.scatter [tilespmem:s20], [sflag:$0x3], $0x4000, s12, s6, $0x38;
	[tilespmem:$0x14400] =	vst v63  }
0x85: {  	_ =	swait.ge [sflag:s16], $0x4000  }
0x86: {  	[sflag:s16] =	ssyncset.done $0x0  }
0x87: {  	[sflag:s16] =	ssyncadd.s32 $0xFFFFC000  }
0x88: {  	[hbm4b:s24+s6] =	stream.strided.scatter [tilespmem:s22], [sflag:$0x3], $0x4000, s12, s6, $0x38;
	[tilespmem:$0x14400] =	vst v63  }
0x89: {  	_ =	swait.ge [sflag:s25], $0x4000  }
0x8a: {  	[sflag:s25] =	ssyncset.done $0x0  }
0x8b: {  	[sflag:s25] =	ssyncadd.s32 $0xFFFFC000  }
0x8c: {  	_ =	swait.ge [sflag:s25], $0x4000  }
0x8d: {  	[sflag:s25] =	ssyncset.done $0x0  }
0x8e: {  	[sflag:s25] =	ssyncadd.s32 $0xFFFFC000  }
0x8f: {  	_ =	swait.ge [sflag:s25], $0x4000  }
0x90: {  	[sflag:s25] =	ssyncset.done $0x0  }
0x91: {  	[sflag:s25] =	ssyncadd.s32 $0xFFFFC000  }
.Ltmp1:
0x92: {  	_ =	swait.ge [sflag:s25], $0x4000;
	(pc) =	sbr.rel @p0 .LBB2_1-.Ltmp1, $4  }
0x93: {  	[sflag:s25] =	ssyncset.done $0x0  }
0x94: {  	[sflag:s25] =	ssyncadd.s32 $0xFFFFC000  }
0x95: {  	_ =	swait.ge [sflag:s25], $0x4000  }
0x96: {  	[sflag:s25] =	ssyncset.done $0x0  }
.LBB2_2:
0x97: {  	[sflag:s25] =	ssyncadd.s32 $0xFFFFC000  }
0x98: {  	_ =	sfence.sel $0x180000  }
0x99: {  	[bflag:$0x0] =	sbarrier.arrive $0xFFFF  }
0x9a: {  	p0 =	sne.s32 s0, $0x0;
	_ =	strace $0x90000047  }
0x9b: {  	s0 =	sadd.s32 @!p0 $0x100000, s1;
	[bflag:$0x2] =	sbarrier.arrive $0xFFFF  }
0x9c: {  	[sflag:s0] =	ssyncadd.tile.s32 @!p0 $0x1;
	_ =	shalt  }
.Lfunc_end2:
_tile_overlayer_lowered:
.L_overlay_start_2:
0x9d: {  	(tag) =	ssettag $0x2  }
0x9e: {  	s0 =	rddreg [dreg:$0x0];
	s2 =	stileid.u32  }
0x9f: {  	s1 =	rddreg [dreg:$0x1];
	p0 =	sne.s32 s2, $0x0  }
0xa0: {  	s3 =	rddreg [dreg:$0x2];
	[bflag:$0x3] =	sbarrier.arrive $0xFFFF;
	s2 =	simm.s32 @!p0 $0x1C04  }
0xa1: {  	[timem:s3], [sflag:s2] =	dma.local @!p0 [hbm:s0], s1  }
0xa2: {  	s0 =	simm.s32 @!p0 $0x4  }
0xa3: {  	_ =	swait.ge @!p0 [sflag:s0], s1  }
0xa4: {  	s1 =	ssub.s32 @!p0 $0x0, s1;
	[sflag:s0] =	ssyncset.done @!p0 $0x0  }
0xa5: {  	[sflag:s0] =	ssyncadd.s32 @!p0 s1  }
0xa6: {  	[bflag:$0x3] =	sbarrier.arrive $0xFFFF  }
0xa7: {  	_ =	shalt  }

// kernel: kernel.9.cloned.1.call-start
scs
__scs_entry_jumppad:
0x0: {  	(pc) =	sbr.rel $0x88, $3  }
0x1: {  	(tag) =	ssettag $0x0;
	lr =	simm.s32 $0x1  }
0x2: {  	[smem:$0x3F9F] =	sst lr;
	_ =	strace $0xD0000000  }
0x3: {  	_ = 	snop  }
0x4: {  	_ = 	snop  }
0x5: {  	_ = 	snop  }
0x6: {  	_ = 	snop  }
0x7: {  	_ = 	snop  }
__scs_overlays_trampoline_lowered:
0x8: {  	[smem:$0x3FAE] =	sst s0  }
0x9: {  	[smem:$0x3FAF] =	sst s1  }
0xa: {  	[smem:$0x3FB0] =	sst s2  }
0xb: {  	[smem:$0x3FB1] =	sst s3  }
0xc: {  	[smem:$0x3FB2] =	sst s4  }
0xd: {  	[smem:$0x3FB3] =	sst s5  }
0xe: {  	[smem:$0x3FB4] =	sst s6  }
0xf: {  	[smem:$0x3FB5] =	sst s7  }
0x10: {  	[smem:$0x3FB6] =	sst s8  }
0x11: {  	[smem:$0x3FB7] =	sst s9;
	s0 =	simm.s32 @!p0 $0x0  }
0x12: {  	s1 =	sld [smem:$0x3F9D];
	s0 =	simm.s32 @p0 $0x1  }
0x13: {  	[smem:$0x3FB8] =	sst s0;
	s0 =	simm.s32 @!p1 $0x0  }
0x14: {  	s2 =	sld [smem:$0x3F9C];
	s0 =	simm.s32 @p1 $0x1  }
0x15: {  	[smem:$0x3FB9] =	sst s0;
	s0 =	simm.s32 @!p2 $0x0  }
0x16: {  	s3 =	sld [smem:$0x3FDB];
	s0 =	simm.s32 @p2 $0x1  }
0x17: {  	s4 =	simm.s32 $0x1BF5;
	[smem:$0x3FBB] =	sst s0  }
0x18: {  	s0 =	sld [smem:$0x3F9E];
	_ =	swait.ge [sflag:s4], $0x0  }
0x19: {  	s7 =	sld [smem:$0x3F9F]  }
0x1a: {  	s8 =	sadd.s32 $0xFFFFE003, lr  }
0x1b: {  	s9 =	sadd.s32 $0xFFFFFEF7, lr;
	s5 =	simm.s32 $0xFFFFFFFF;
	p2 =	slt.u32 s8, $0xFFFFF086  }
0x1c: {  	p1 =	slt.u32 s9, $0xF7A;
	s5 =	simm.s32 @!p2 $0x0  }
0x1d: {  	s5 =	simm.s32 @p1 $0x1;
	p0 =	seq.s32 s7, s2  }
0x1e: {  	s7 =	smul.u32 @!p0 $0xF7A, s2;
	p2 =	seq.s32 @!p0 s5, $0x0  }
0x1f: {  	s9 =	smul.u32 $0xF7A, s1;
	s8 =	simm.s32 @!p0 $0x1BF5;
	p2 =	por !p2, p0  }
0x20: {  	[sflag:s8] =	ssyncset.s32 @!p0 $0xFFFFF086;
	s6 =	sadd.s32 @!p0 s3, s7;
	s7 =	simm.s32 @!p0 $0x108  }
0x21: {  	s3 =	sadd.s32 s3, s9;
	s6 =	sadd.s32 @!p0 $0x88, s6;
	s7 =	simm.s32 @p2 $0x1082  }
0x22: {  	[simem:s7], [sflag:s8] =	dma.local @!p0 [hbm:s6], $0xF7A  }
0x23: {  	s9 =	sor.u32 $0xD0000000, s2;
	s6 =	simm.s32 $0x108;
	_ =	swait.ge @!p0 [sflag:s8], $0x0  }
0x24: {  	s3 =	sadd.s32 $0x88, s3;
	s6 =	simm.s32 @!p1 $0x1082;
	[sflag:s4] =	ssyncset.s32 $0xFFFFF086  }
0x25: {  	[simem:s6], [sflag:s4] =	dma.local [hbm:s3], $0xF7A  }
0x26: {  	[smem:$0x3F9F] =	sst s1;
	(tag) =	ssettag s2;
	_ =	strace s9  }
0x27: {  	s1 =	sld [smem:$0x3FAF]  }
0x28: {  	s2 =	sld [smem:$0x3FB0]  }
0x29: {  	s4 =	sld [smem:$0x3FB2]  }
0x2a: {  	p0 =	seq.s32 s5, $0x0;
	s5 =	sld [smem:$0x3FB3]  }
0x2b: {  	s6 =	sld [smem:$0x3FB4]  }
0x2c: {  	s7 =	sld [smem:$0x3FB5]  }
0x2d: {  	s3 =	simm.s32 $0x108;
	s8 =	sld [smem:$0x3FB6]  }
0x2e: {  	s3 =	simm.s32 @!p0 $0x1082;
	s9 =	sld [smem:$0x3FB7]  }
0x2f: {  	lr =	sadd.s32 s0, s3;
	s0 =	sld [smem:$0x3FAE]  }
0x30: {  	s3 =	sld [smem:$0x3FB1]  }
0x31: {  	[smem:$0x3FBA] =	sst s10  }
0x32: {  	s10 =	sld [smem:$0x3FB8];
	_ =	sdelay $0x3  }
0x33: {  	p0 =	seq.s32 s10, $0x1;
	s10 =	sld [smem:$0x3FBA];
	_ =	sdelay $0x3  }
0x34: {  	[smem:$0x3FBA] =	sst s10  }
0x35: {  	s10 =	sld [smem:$0x3FB9];
	_ =	sdelay $0x3  }
0x36: {  	p1 =	seq.s32 s10, $0x1;
	s10 =	sld [smem:$0x3FBA];
	_ =	sdelay $0x3  }
0x37: {  	[smem:$0x3FBA] =	sst s10  }
0x38: {  	s10 =	sld [smem:$0x3FBB]  }
0x39: {  	_ = 	snop;
	(pc) =	sbr.ind lr, $3  }
0x3a: {  	_ = 	snop  }
0x3b: {  	_ = 	snop  }
0x3c: {  	p2 =	seq.s32 s10, $0x1;
	s10 =	sld [smem:$0x3FBA]  }
0x3d: {  	_ =	shalt  }
0x3e: {  	_ =	shalt  }
0x3f: {  	_ =	shalt  }
0x40: {  	_ =	shalt  }
0x41: {  	_ =	shalt  }
0x42: {  	_ =	shalt  }
0x43: {  	_ =	shalt  }
0x44: {  	_ =	shalt  }
0x45: {  	_ =	shalt  }
0x46: {  	_ =	shalt  }
0x47: {  	_ =	shalt  }
0x48: {  	_ =	shalt  }
0x49: {  	_ =	shalt  }
0x4a: {  	_ =	shalt  }
0x4b: {  	_ =	shalt  }
0x4c: {  	_ =	shalt  }
0x4d: {  	_ =	shalt  }
0x4e: {  	_ =	shalt  }
0x4f: {  	_ =	shalt  }
0x50: {  	_ =	shalt  }
0x51: {  	_ =	shalt  }
0x52: {  	_ =	shalt  }
0x53: {  	_ =	shalt  }
0x54: {  	_ =	shalt  }
0x55: {  	_ =	shalt  }
0x56: {  	_ =	shalt  }
0x57: {  	_ =	shalt  }
0x58: {  	_ =	shalt  }
0x59: {  	_ =	shalt  }
0x5a: {  	_ =	shalt  }
0x5b: {  	_ =	shalt  }
0x5c: {  	_ =	shalt  }
0x5d: {  	_ =	shalt  }
0x5e: {  	_ =	shalt  }
0x5f: {  	_ =	shalt  }
0x60: {  	_ =	shalt  }
0x61: {  	_ =	shalt  }
0x62: {  	_ =	shalt  }
0x63: {  	_ =	shalt  }
0x64: {  	_ =	shalt  }
0x65: {  	_ =	shalt  }
0x66: {  	_ =	shalt  }
0x67: {  	_ =	shalt  }
0x68: {  	_ =	shalt  }
0x69: {  	_ =	shalt  }
0x6a: {  	_ =	shalt  }
0x6b: {  	_ =	shalt  }
0x6c: {  	_ =	shalt  }
0x6d: {  	_ =	shalt  }
0x6e: {  	_ =	shalt  }
0x6f: {  	_ =	shalt  }
0x70: {  	_ =	shalt  }
0x71: {  	_ =	shalt  }
0x72: {  	_ =	shalt  }
0x73: {  	_ =	shalt  }
0x74: {  	_ =	shalt  }
0x75: {  	_ =	shalt  }
0x76: {  	_ =	shalt  }
0x77: {  	_ =	shalt  }
0x78: {  	_ =	shalt  }
0x79: {  	_ =	shalt  }
0x7a: {  	_ =	shalt  }
0x7b: {  	_ =	shalt  }
0x7c: {  	_ =	shalt  }
0x7d: {  	_ =	shalt  }
0x7e: {  	_ =	shalt  }
0x7f: {  	_ =	shalt  }
0x80: {  	_ =	shalt  }
0x81: {  	_ =	shalt  }
0x82: {  	_ =	shalt  }
0x83: {  	_ =	shalt  }
0x84: {  	_ =	shalt  }
0x85: {  	_ =	shalt  }
0x86: {  	_ =	shalt  }
0x87: {  	_ =	shalt  }
.Lfunc_end0:
.L_simem_size_0:
called_computation.1_lowered:
.L_overlay_start_0:
0x88: {  	s2 =	sld [smem:$0x3FD9]  }
0x89: {  	s3 =	sld [smem:$0x3FFE];
	_ =	sdelay $0x1  }
0x8a: {  	s1 =	srdreg.scid  }
0x8b: {  	s0 =	sand.u32 $0x1, s1  }
0x8c: {  	s17 =	sshll.u32 s0, $0xA;
	s2 =	sadd.s32 s3, s2  }
0x8d: {  	s2 =	sadd.s32 s2, s17  }
0x8e: {  	[smem:$0x3FC6] =	sst s2  }
0x8f: {  	_ = 	snop  }
0x90: {  	s2 =	sld [smem:$0x3FD0];
	(tm) =	ssettm $0x1  }
0x91: {  	s18 =	sld [smem:$0x3FFB];
	_ =	sdelay $0x3  }
0x92: {  	_ =	strace s18  }
0x93: {  	s3 =	sld [smem:$0x3FFC];
	_ =	sdelay $0x3  }
0x94: {  	_ =	strace s3  }
0x95: {  	s3 =	sld [smem:$0x3FFD];
	_ =	sdelay $0x3  }
0x96: {  	_ =	strace s3  }
0x97: {  	_ =	strace $0x8FFFFFFF  }
0x98: {  	s19 =	sld [smem:$0x3FDB];
	_ =	sdelay $0x1  }
0x99: {  	s4 =	simm.s32 $_scs_section_size  }
0x9a: {  	s5 =	simm.s32 $_size__tile_overlayer_lowered;
	s6 =	simm.s32 $_tile_overlayer_lowered  }
0x9b: {  	s22 =	simm.s32 $0x1BFF;
	s21 =	sshll.u32 s6, $0x1;
	s3 =	sadd.s32 s4, s19  }
0x9c: {  	s7 =	simm.s32 $0x0;
	s20 =	sshll.u32 s5, $0x1;
	s5 =	sadd.s32 s21, s3  }
0x9d: {  	[timem:s7], [sflag:s22] =	dma.local [hbm:s5], s20  }
0x9e: {  	_ =	swait.ge [sflag:s22], s20  }
0x9f: {  	s4 =	ssub.s32 $0x0, s20;
	[sflag:s22] =	ssyncset.done $0x0  }
0xa0: {  	[sflag:s22] =	ssyncadd.s32 s4;
	_ =	sdelay $0x1  }
0xa1: {  	s23 =	simm.s32 $0x1B8B  }
0xa2: {  	_ =	swait.ge [sflag:s23], $0x1  }
0xa3: {  	[sflag:s23] =	ssyncset.done $0x0  }
0xa4: {  	s25 =	simm.s32 $0x1B8E;
	s24 =	sld [smem:$0x3FFE];
	[sflag:s23] =	ssyncadd.s32 $0xFFFFFFFF  }
0xa5: {  	s26 =	simm.s32 $execute0_lowered;
	[smem:$0x3FD2] =	sst s25  }
0xa6: {  	s5 =	sshll.u32 s26, $0x1;
	_ =	strace $0x80000049;
	[dreg:$0x1] =	wrdreg $0xFFFFFFFF  }
0xa7: {  	s28 =	simm.s32 $_size_execute0_lowered;
	s3 =	sadd.s32 s3, s5;
	[dreg:$0x0] =	wrdreg $0x0  }
0xa8: {  	s5 =	sshll.u32 s28, $0x1;
	[dreg:$0x2] =	wrdreg s3  }
0xa9: {  	[dreg:$0x3] =	wrdreg s5  }
0xaa: {  	[dreg:$0x4] =	wrdreg $0xC0  }
0xab: {  	_ =	task [dreg:s7], $0x5FFFF  }
0xac: {  	[dreg:$0x1] =	wrdreg $0xFFFFFFFF  }
0xad: {  	[dreg:$0x0] =	wrdreg $0x60  }
0xae: {  	[dreg:$0x2] =	wrdreg s24  }
0xaf: {  	[dreg:$0x3] =	wrdreg s2  }
0xb0: {  	[dreg:$0x4] =	wrdreg $0x9  }
0xb1: {  	_ =	task.clear_ibuf [dreg:s7], $0x5FFFF;
	_ =	strace $0x90000049  }
0xb2: {  	s29 =	simm.s32 $0x9;
	_ =	strace $0x8000004B  }
0xb3: {  	_ =	swait.ge [sflag:s29], $0x1  }
0xb4: {  	[sflag:s29] =	ssyncadd.s32 $0xFFFFFFFF  }
0xb5: {  	_ =	strace $0x9000004B  }
0xb6: {  	_ =	sfence  }
0xb7: {  	s30 =	sld [smem:$0x0];
	_ =	sdelay $0x2  }
0xb8: {  	s31 =	sshll.u32 s1, $0xD;
	s1 =	sshrl.u32 s1, $0x2  }
0xb9: {  	s3 =	sand.u32 $0x4000, s31;
	s1 =	sadd.s32 s1, s30  }
0xba: {  	s0 =	sor.u32 s3, s0;
	s1 =	sshll.u32 s1, $0x11  }
0xbb: {  	s0 =	sor.u32 s1, s0  }
0xbc: {  	s0 =	sadd.s32 $0x8F2B, s0  }
0xbd: {  	[sflag:s0] =	ssyncadd.remote.s32 $0x1  }
0xbe: {  	_ =	sfence.sel $0xFFFF  }
0xbf: {  	[dreg:$0x0] =	wrdreg $0xFFFFFFFF;
	(pc) =	sbr.abs _section_cstart, $3  }
0xc0: {  	[dreg:$0x1] =	wrdreg $0xFFFFFFFF  }
0xc1: {  	_ =	task.clear_ibuf [dreg:s7], $0x2FFFF;
	_ =	strace $0x9FFFFFFF  }
0xc2: {  	(tm) =	ssettm $0x7FFFFFFF  }
0xc3: {  	_ =	shalt  }
tec
execute0_lowered:
.L_overlay_start_1:
0x0: {  	(tag) =	ssettag $0x1  }
0x1: {  	s1 =	srdreg.scid  }
0x2: {  	s0 =	stileid.u32;
	s26 =	sand.u32 $0x1, s1  }
0x3: {  	s1 =	sor.u32 s26, s0  }
0x4: {  	p0 =	seq.s32 s26, $0x1;
	p1 =	seq.s32 s1, $0x0  }
0x5: {  	p0 =	por !p1, !p0  }
0x6: {  	s1 =	simm.s32 $0x1;
	p0 =	por !p0, !p0  }
0x7: {  	s1 =	simm.s32 @!p0 $0x0  }
0x8: {  	s1 =	ssub.s32 s0, s1  }
0x9: {  	s14 =	smul.u32 $0x280, s1  }
0xa: {  	s13 =	rddreg [dreg:$0x0];
	s3 =	smul.u32 $0x2800, s26;
	p0 =	seq.s32 s1, $0xF  }
0xb: {  	s24 =	rddreg [dreg:$0x1];
	s2 =	simm.s32 $0x0;
	s14 =	simm.s32 @p0 $0x2490  }
0xc: {  	[smem:$0x7FF] =	sst s2;
	s11 =	sadd.s32 $0x9800, s13;
	s7 =	sadd.s32 s3, s14  }
0xd: {  	s1 =	rddreg [dreg:$0x2];
	_ =	strace $0x8000004A;
	s3 =	sadd.s32 $0x80, s7  }
0xe: {  	s4 =	sshrl.u32 s7, $0x3;
	s6 =	sadd.s32 $0x100, s7;
	s8 =	sadd.s32 $0x180, s7  }
0xf: {  	s9 =	sadd.s32 $0x200, s7;
	s5 =	sshrl.u32 s3, $0x3;
	s3 =	sadd.s32 s11, s4  }
0x10: {  	[tilespmem:s2], [sflag:$0x1] =	stream.linear.gather [hbm4b:s3+s2], $0x80, $0x38;
	[tilespmem:$0x14400] =	vst v63  }
0x11: {  	s31 =	sshrl.u32 s6, $0x3;
	s6 =	simm.s32 $0x80;
	s4 =	sadd.s32 s11, s5  }
0x12: {  	[tilespmem:s6], [sflag:$0x1] =	stream.linear.gather [hbm4b:s4+s2], $0x80, $0x38;
	[tilespmem:$0x14400] =	vst v63  }
0x13: {  	s7 =	simm.s32 $0x100;
	s8 =	sshrl.u32 s8, $0x3;
	s5 =	sadd.s32 s11, s31  }
0x14: {  	[tilespmem:s7], [sflag:$0x1] =	stream.linear.gather [hbm4b:s5+s2], $0x80, $0x38;
	[tilespmem:$0x14400] =	vst v63  }
0x15: {  	s12 =	sshrl.u32 s9, $0x3;
	s9 =	simm.s32 $0x180;
	s8 =	sadd.s32 s11, s8  }
0x16: {  	[tilespmem:s9], [sflag:$0x1] =	stream.linear.gather [hbm4b:s8+s2], $0x80, $0x38;
	[tilespmem:$0x14400] =	vst v63  }
0x17: {  	s10 =	simm.s32 $0x1;
	s11 =	sadd.s32 s11, s12;
	s12 =	simm.s32 $0x200  }
0x18: {  	[tilespmem:s12], [sflag:$0x1] =	stream.linear.gather [hbm4b:s11+s2], $0x80, $0x38;
	[tilespmem:$0x14400] =	vst v63  }
0x19: {  	_ =	swait.ge [sflag:s10], $0x80  }
0x1a: {  	[sflag:s10] =	ssyncset.done $0x0  }
0x1b: {  	[sflag:s10] =	ssyncadd.s32 $0xFFFFFF80  }
0x1c: {  	_ =	swait.ge [sflag:s10], $0x80  }
0x1d: {  	[sflag:s10] =	ssyncset.done $0x0  }
0x1e: {  	[sflag:s10] =	ssyncadd.s32 $0xFFFFFF80  }
0x1f: {  	_ =	swait.ge [sflag:s10], $0x80  }
0x20: {  	[sflag:s10] =	ssyncset.done $0x0  }
0x21: {  	[sflag:s10] =	ssyncadd.s32 $0xFFFFFF80  }
0x22: {  	_ =	swait.ge [sflag:s10], $0x80  }
0x23: {  	[sflag:s10] =	ssyncset.done $0x0  }
0x24: {  	[sflag:s10] =	ssyncadd.s32 $0xFFFFFF80  }
0x25: {  	_ =	swait.ge [sflag:s10], $0x80  }
0x26: {  	s13 =	sadd.s32 $0x1800, s13;
	s15 =	sshll.u32 s26, $0x7;
	[sflag:s10] =	ssyncset.done $0x0  }
0x27: {  	s16 =	sshll.u32 s14, $0x9;
	s14 =	simm.s32 $0x400;
	[sflag:s10] =	ssyncadd.s32 $0xFFFFFF80  }
0x28: {  	[tilespmem:s14], [sflag:$0x2] =	stream.indirect.gather [hbm4b:s13+s6], $0x80, s2, s6, $0xb8;
	[tilespmem:$0x14400] =	vst v63  }
0x29: {  	s25 =	sor.u32 s16, s15;
	s15 =	simm.s32 $0x4400;
	s16 =	simm.s32 $0x2  }
0x2a: {  	[tilespmem:s15], [sflag:$0x2] =	stream.indirect.gather [hbm4b:s13+s6], $0x80, s6, s6, $0xb8;
	[tilespmem:$0x14400] =	vst v63  }
0x2b: {  	s17 =	sor.u32 $0x100, s25;
	_ =	swait.ge [sflag:s16], $0x4000  }
0x2c: {  	s17 =	sshrl.u32 s17, $0x3;
	[sflag:s16] =	ssyncset.done $0x0  }
0x2d: {  	s17 =	sadd.s32 s24, s17;
	[sflag:s16] =	ssyncadd.s32 $0xFFFFC000  }
0x2e: {  	[hbm4b:s17+s6] =	stream.strided.scatter [tilespmem:s14], [sflag:$0x3], $0x4000, s12, s6, $0x38;
	[tilespmem:$0x14400] =	vst v63  }
0x2f: {  	s18 =	simm.s32 $0x8400  }
0x30: {  	[tilespmem:s18], [sflag:$0x2] =	stream.indirect.gather [hbm4b:s13+s6], $0x80, s7, s6, $0xb8;
	[tilespmem:$0x14400] =	vst v63  }
0x31: {  	s19 =	sadd.s32 $0x10100, s25;
	_ =	swait.ge [sflag:s16], $0x4000  }
0x32: {  	s19 =	sshrl.u32 s19, $0x3;
	[sflag:s16] =	ssyncset.done $0x0  }
0x33: {  	s19 =	sadd.s32 s24, s19;
	[sflag:s16] =	ssyncadd.s32 $0xFFFFC000  }
0x34: {  	[hbm4b:s19+s6] =	stream.strided.scatter [tilespmem:s15], [sflag:$0x3], $0x4000, s12, s6, $0x38;
	[tilespmem:$0x14400] =	vst v63  }
0x35: {  	s20 =	simm.s32 $0xC400  }
0x36: {  	[tilespmem:s20], [sflag:$0x2] =	stream.indirect.gather [hbm4b:s13+s6], $0x80, s9, s6, $0xb8;
	[tilespmem:$0x14400] =	vst v63  }
0x37: {  	s21 =	sadd.s32 $0x20100, s25;
	_ =	swait.ge [sflag:s16], $0x4000  }
0x38: {  	s21 =	sshrl.u32 s21, $0x3;
	[sflag:s16] =	ssyncset.done $0x0  }
0x39: {  	s21 =	sadd.s32 s24, s21;
	[sflag:s16] =	ssyncadd.s32 $0xFFFFC000  }
0x3a: {  	[hbm4b:s21+s6] =	stream.strided.scatter [tilespmem:s18], [sflag:$0x3], $0x4000, s12, s6, $0x38;
	[tilespmem:$0x14400] =	vst v63  }
0x3b: {  	s22 =	simm.s32 $0x10400  }
0x3c: {  	[tilespmem:s22], [sflag:$0x2] =	stream.indirect.gather [hbm4b:s13+s6], $0x80, s12, s6, $0xb8;
	[tilespmem:$0x14400] =	vst v63  }
0x3d: {  	s23 =	sadd.s32 $0x30100, s25;
	_ =	swait.ge [sflag:s16], $0x4000  }
0x3e: {  	s23 =	sshrl.u32 s23, $0x3;
	[sflag:s16] =	ssyncset.done $0x0  }
0x3f: {  	s23 =	sadd.s32 s24, s23;
	[sflag:s16] =	ssyncadd.s32 $0xFFFFC000  }
0x40: {  	[hbm4b:s23+s6] =	stream.strided.scatter [tilespmem:s20], [sflag:$0x3], $0x4000, s12, s6, $0x38;
	[tilespmem:$0x14400] =	vst v63  }
0x41: {  	s25 =	sadd.s32 $0x40100, s25;
	_ =	swait.ge [sflag:s16], $0x4000  }
0x42: {  	s25 =	sshrl.u32 s25, $0x3;
	[sflag:s16] =	ssyncset.done $0x0  }
0x43: {  	s24 =	sadd.s32 s24, s25;
	s25 =	simm.s32 $0x3;
	[sflag:s16] =	ssyncadd.s32 $0xFFFFC000  }
0x44: {  	[hbm4b:s24+s6] =	stream.strided.scatter [tilespmem:s22], [sflag:$0x3], $0x4000, s12, s6, $0x38;
	[tilespmem:$0x14400] =	vst v63  }
0x45: {  	_ =	swait.ge [sflag:s25], $0x4000  }
0x46: {  	[sflag:s25] =	ssyncset.done $0x0  }
0x47: {  	[sflag:s25] =	ssyncadd.s32 $0xFFFFC000  }
0x48: {  	_ =	swait.ge [sflag:s25], $0x4000  }
0x49: {  	s26 =	ssub.s32 $0x2, s26;
	[sflag:s25] =	ssyncset.done $0x0  }
0x4a: {  	s28 =	sshrl.u32 s26, $0x1;
	[sflag:s25] =	ssyncadd.s32 $0xFFFFC000  }
0x4b: {  	s26 =	ssub.s32 s26, s28;
	_ =	swait.ge [sflag:s25], $0x4000  }
0x4c: {  	s26 =	smax.u32 s26, $0x1;
	[sflag:s25] =	ssyncset.done $0x0  }
0x4d: {  	p0 =	sne.s32 s26, $0x1;
	[sflag:s25] =	ssyncadd.s32 $0xFFFFC000  }
.Ltmp0:
0x4e: {  	_ =	swait.ge [sflag:s25], $0x4000;
	(pc) =	sbr.rel @!p0 .LBB2_2-.Ltmp0, $4  }
0x4f: {  	[sflag:s25] =	ssyncset.done $0x0  }
0x50: {  	[sflag:s25] =	ssyncadd.s32 $0xFFFFC000  }
0x51: {  	_ =	swait.ge [sflag:s25], $0x4000  }
0x52: {  	s26 =	sadd.s32 $0xFFFFFFFF, s26;
	[sflag:s25] =	ssyncset.done $0x0  }
.LBB2_1:
0x53: {  	p0 =	sne.s32 s26, $0x1;
	s26 =	sadd.s32 $0xFFFFFFFF, s26;
	[sflag:s25] =	ssyncadd.s32 $0xFFFFC000  }
0x54: {  	[tilespmem:s2], [sflag:$0x1] =	stream.linear.gather [hbm4b:s3+s2], $0x80, $0x38;
	[tilespmem:$0x14400] =	vst v63  }
0x55: {  	_ = 	snop  }
0x56: {  	[tilespmem:s6], [sflag:$0x1] =	stream.linear.gather [hbm4b:s4+s2], $0x80, $0x38;
	[tilespmem:$0x14400] =	vst v63  }
0x57: {  	_ = 	snop  }
0x58: {  	[tilespmem:s7], [sflag:$0x1] =	stream.linear.gather [hbm4b:s5+s2], $0x80, $0x38;
	[tilespmem:$0x14400] =	vst v63  }
0x59: {  	_ = 	snop  }
0x5a: {  	[tilespmem:s9], [sflag:$0x1] =	stream.linear.gather [hbm4b:s8+s2], $0x80, $0x38;
	[tilespmem:$0x14400] =	vst v63  }
0x5b: {  	_ = 	snop  }
0x5c: {  	[tilespmem:s12], [sflag:$0x1] =	stream.linear.gather [hbm4b:s11+s2], $0x80, $0x38;
	[tilespmem:$0x14400] =	vst v63  }
0x5d: {  	_ =	swait.ge [sflag:s10], $0x80  }
0x5e: {  	[sflag:s10] =	ssyncset.done $0x0  }
0x5f: {  	[sflag:s10] =	ssyncadd.s32 $0xFFFFFF80  }
0x60: {  	_ =	swait.ge [sflag:s10], $0x80  }
0x61: {  	[sflag:s10] =	ssyncset.done $0x0  }
0x62: {  	[sflag:s10] =	ssyncadd.s32 $0xFFFFFF80  }
0x63: {  	_ =	swait.ge [sflag:s10], $0x80  }
0x64: {  	[sflag:s10] =	ssyncset.done $0x0  }
0x65: {  	[sflag:s10] =	ssyncadd.s32 $0xFFFFFF80  }
0x66: {  	_ =	swait.ge [sflag:s10], $0x80  }
0x67: {  	[sflag:s10] =	ssyncset.done $0x0  }
0x68: {  	[sflag:s10] =	ssyncadd.s32 $0xFFFFFF80  }
0x69: {  	_ =	swait.ge [sflag:s10], $0x80  }
0x6a: {  	[sflag:s10] =	ssyncset.done $0x0  }
0x6b: {  	[sflag:s10] =	ssyncadd.s32 $0xFFFFFF80  }
0x6c: {  	[tilespmem:s14], [sflag:$0x2] =	stream.indirect.gather [hbm4b:s13+s6], $0x80, s2, s6, $0xb8;
	[tilespmem:$0x14400] =	vst v63  }
0x6d: {  	_ = 	snop  }
0x6e: {  	[tilespmem:s15], [sflag:$0x2] =	stream.indirect.gather [hbm4b:s13+s6], $0x80, s6, s6, $0xb8;
	[tilespmem:$0x14400] =	vst v63  }
0x6f: {  	_ =	swait.ge [sflag:s16], $0x4000  }
0x70: {  	[sflag:s16] =	ssyncset.done $0x0  }
0x71: {  	[sflag:s16] =	ssyncadd.s32 $0xFFFFC000  }
0x72: {  	[hbm4b:s17+s6] =	stream.strided.scatter [tilespmem:s14], [sflag:$0x3], $0x4000, s12, s6, $0x38;
	[tilespmem:$0x14400] =	vst v63  }
0x73: {  	_ = 	snop  }
0x74: {  	[tilespmem:s18], [sflag:$0x2] =	stream.indirect.gather [hbm4b:s13+s6], $0x80, s7, s6, $0xb8;
	[tilespmem:$0x14400] =	vst v63  }
0x75: {  	_ =	swait.ge [sflag:s16], $0x4000  }
0x76: {  	[sflag:s16] =	ssyncset.done $0x0  }
0x77: {  	[sflag:s16] =	ssyncadd.s32 $0xFFFFC000  }
0x78: {  	[hbm4b:s19+s6] =	stream.strided.scatter [tilespmem:s15], [sflag:$0x3], $0x4000, s12, s6, $0x38;
	[tilespmem:$0x14400] =	vst v63  }
0x79: {  	_ = 	snop  }
0x7a: {  	[tilespmem:s20], [sflag:$0x2] =	stream.indirect.gather [hbm4b:s13+s6], $0x80, s9, s6, $0xb8;
	[tilespmem:$0x14400] =	vst v63  }
0x7b: {  	_ =	swait.ge [sflag:s16], $0x4000  }
0x7c: {  	[sflag:s16] =	ssyncset.done $0x0  }
0x7d: {  	[sflag:s16] =	ssyncadd.s32 $0xFFFFC000  }
0x7e: {  	[hbm4b:s21+s6] =	stream.strided.scatter [tilespmem:s18], [sflag:$0x3], $0x4000, s12, s6, $0x38;
	[tilespmem:$0x14400] =	vst v63  }
0x7f: {  	_ = 	snop  }
0x80: {  	[tilespmem:s22], [sflag:$0x2] =	stream.indirect.gather [hbm4b:s13+s6], $0x80, s12, s6, $0xb8;
	[tilespmem:$0x14400] =	vst v63  }
0x81: {  	_ =	swait.ge [sflag:s16], $0x4000  }
0x82: {  	[sflag:s16] =	ssyncset.done $0x0  }
0x83: {  	[sflag:s16] =	ssyncadd.s32 $0xFFFFC000  }
0x84: {  	[hbm4b:s23+s6] =	stream.strided.scatter [tilespmem:s20], [sflag:$0x3], $0x4000, s12, s6, $0x38;
	[tilespmem:$0x14400] =	vst v63  }
0x85: {  	_ =	swait.ge [sflag:s16], $0x4000  }
0x86: {  	[sflag:s16] =	ssyncset.done $0x0  }
0x87: {  	[sflag:s16] =	ssyncadd.s32 $0xFFFFC000  }
0x88: {  	[hbm4b:s24+s6] =	stream.strided.scatter [tilespmem:s22], [sflag:$0x3], $0x4000, s12, s6, $0x38;
	[tilespmem:$0x14400] =	vst v63  }
0x89: {  	_ =	swait.ge [sflag:s25], $0x4000  }
0x8a: {  	[sflag:s25] =	ssyncset.done $0x0  }
0x8b: {  	[sflag:s25] =	ssyncadd.s32 $0xFFFFC000  }
0x8c: {  	_ =	swait.ge [sflag:s25], $0x4000  }
0x8d: {  	[sflag:s25] =	ssyncset.done $0x0  }
0x8e: {  	[sflag:s25] =	ssyncadd.s32 $0xFFFFC000  }
0x8f: {  	_ =	swait.ge [sflag:s25], $0x4000  }
0x90: {  	[sflag:s25] =	ssyncset.done $0x0  }
0x91: {  	[sflag:s25] =	ssyncadd.s32 $0xFFFFC000  }
.Ltmp1:
0x92: {  	_ =	swait.ge [sflag:s25], $0x4000;
	(pc) =	sbr.rel @p0 .LBB2_1-.Ltmp1, $4  }
0x93: {  	[sflag:s25] =	ssyncset.done $0x0  }
0x94: {  	[sflag:s25] =	ssyncadd.s32 $0xFFFFC000  }
0x95: {  	_ =	swait.ge [sflag:s25], $0x4000  }
0x96: {  	[sflag:s25] =	ssyncset.done $0x0  }
.LBB2_2:
0x97: {  	[sflag:s25] =	ssyncadd.s32 $0xFFFFC000  }
0x98: {  	_ =	sfence.sel $0x180000  }
0x99: {  	[bflag:$0x0] =	sbarrier.arrive $0xFFFF  }
0x9a: {  	p0 =	sne.s32 s0, $0x0;
	_ =	strace $0x9000004A  }
0x9b: {  	s0 =	sadd.s32 @!p0 $0x100000, s1;
	[bflag:$0x2] =	sbarrier.arrive $0xFFFF  }
0x9c: {  	[sflag:s0] =	ssyncadd.tile.s32 @!p0 $0x1;
	_ =	shalt  }
.Lfunc_end2:
_tile_overlayer_lowered:
.L_overlay_start_2:
0x9d: {  	(tag) =	ssettag $0x2  }
0x9e: {  	s0 =	rddreg [dreg:$0x0];
	s2 =	stileid.u32  }
0x9f: {  	s1 =	rddreg [dreg:$0x1];
	p0 =	sne.s32 s2, $0x0  }
0xa0: {  	s3 =	rddreg [dreg:$0x2];
	[bflag:$0x3] =	sbarrier.arrive $0xFFFF;
	s2 =	simm.s32 @!p0 $0x1C04  }
0xa1: {  	[timem:s3], [sflag:s2] =	dma.local @!p0 [hbm:s0], s1  }
0xa2: {  	s0 =	simm.s32 @!p0 $0x4  }
0xa3: {  	_ =	swait.ge @!p0 [sflag:s0], s1  }
0xa4: {  	s1 =	ssub.s32 @!p0 $0x0, s1;
	[sflag:s0] =	ssyncset.done @!p0 $0x0  }
0xa5: {  	[sflag:s0] =	ssyncadd.s32 @!p0 s1  }
0xa6: {  	[bflag:$0x3] =	sbarrier.arrive $0xFFFF  }
0xa7: {  	_ =	shalt  }

</sc_bundles>
